<compile_context>
chip_gen: v7x
topology: tpu7x:2x2x1
jax: 0.10.2.dev20260603
libtpu: 0.0.44.dev20260713+nightly
codegen_flags: <defaults>
</compile_context>

<pallas_src>
import jax
import jax.numpy as jnp
from jax import lax
from jax.experimental import pallas as pl
from jax.experimental.pallas import tpu as pltpu
from jax.experimental.pallas import tpu_sc as plsc

NUM_EMB = 1000000
DIM = 64
PDIM = 128
NC = 2
NS = 16
NW = NC * NS

B_TOTAL = 4096 * 200
B_PER_W = B_TOTAL // NW
SUB = 128
NSUB = 2
CHUNK = SUB * NSUB
N_CHUNKS = B_PER_W // CHUNK
NBUF = 4


def _emb_body(tok_hbm, weight_hbm, out_hbm, rows_v, *rest):
    idx_bufs = rest[:NBUF * NSUB]
    gsem = rest[NBUF * NSUB:]
    wid = lax.axis_index("s") * NC + lax.axis_index("c")
    base = wid * B_PER_W

    def start_gather(c, buf):
        for s in range(NSUB):
            ib = idx_bufs[buf * NSUB + s]
            pltpu.sync_copy(
                tok_hbm.at[pl.ds(base + c * CHUNK + s * SUB, SUB)], ib
            )
            pltpu.async_copy(
                weight_hbm.at[ib],
                rows_v.at[buf, pl.ds(s * SUB, SUB)],
                gsem[buf],
            )

    def wait_gather(buf):
        for s in range(NSUB):
            pltpu.make_async_copy(
                weight_hbm.at[idx_bufs[buf * NSUB + s]],
                rows_v.at[buf, pl.ds(s * SUB, SUB)],
                gsem[buf],
            ).wait()

    def write_out(c, buf):
        pltpu.sync_copy(
            rows_v.at[buf],
            out_hbm.at[pl.ds(base + c * CHUNK, CHUNK), pl.ds(0, DIM)],
        )

    for b in range(NBUF):
        start_gather(b, b)

    def group(g, _):
        for b in range(NBUF):
            c = g * NBUF + b
            wait_gather(b)
            write_out(c, b)
            start_gather(c + NBUF, b)
        return _

    lax.fori_loop(0, (N_CHUNKS - NBUF) // NBUF, group, 0)

    for b in range(NBUF):
        c = N_CHUNKS - NBUF + b
        wait_gather(b)
        write_out(c, b)


@jax.jit
def kernel(token_ids, weight):
    tokf = token_ids.reshape(B_TOTAL)
    mesh = plsc.VectorSubcoreMesh(core_axis_name="c", subcore_axis_name="s")
    outp = pl.kernel(
        _emb_body,
        out_type=jax.ShapeDtypeStruct((B_TOTAL, PDIM), jnp.float32),
        mesh=mesh,
        scratch_types=[
            pltpu.VMEM((NBUF, CHUNK, DIM), jnp.float32),
        ] + [pltpu.VMEM((SUB,), jnp.int32)] * (NBUF * NSUB)
          + [pltpu.SemaphoreType.DMA] * NBUF,
        compiler_params=pltpu.CompilerParams(use_tc_tiling_on_sc=False),
    )(tokf, weight)
    return outp.reshape(4096, 200, PDIM)[..., :DIM]

# --- scband reference (transcript-rebuilt; emitter-appended) ---
"""Pipeline reference for scband-embedding-27608049779431 (READ-ONLY COPY).

The authoritative reference and input builder live on the scoring server;
editing this copy changes nothing except your own understanding.
"""

import jax, jax.numpy as jnp
import numpy as np

NUM_EMBEDDINGS = 1000000
EMBEDDING_DIM = 64


def setup_inputs(seed: int = 0) -> dict:
    key = jax.random.key(seed)
    k_idx, k_w = jax.random.split(key)
    token_ids = jax.random.randint(k_idx, (4096, 200), 0, NUM_EMBEDDINGS, dtype=jnp.int64 if jax.config.jax_enable_x64 else jnp.int32)
    # trunc_normal_(mean=0, std=1, a=-3, b=3)
    weight = jax.random.truncated_normal(k_w, -3.0, 3.0, (NUM_EMBEDDINGS, EMBEDDING_DIM), dtype=jnp.float32)
    return {"token_ids": token_ids, "weight": weight}


def reference(token_ids, weight):
    # Faithful translation of: return self.weight[token_ids]
    return jnp.take(weight, token_ids, axis=0)

if __name__ == "__main__":
    import jax
    _d = setup_inputs()
    print(jax.jit(kernel)(*tuple(_d.values())))

</pallas_src>

<mosaic_0001>
#map = affine_map<(d0, d1) -> (0)>
#map1 = affine_map<(d0, d1) -> (0, 0)>
module attributes {stable_mosaic.version = 14 : i64} {
  func.func @_emb_body(%arg0: i32, %arg1: i32, %arg2: memref<819200xi32, #tpu.memory_space<hbm>>, %arg3: memref<1000000x64xf32, #tpu.memory_space<hbm>>, %arg4: memref<819200x128xf32, #tpu.memory_space<hbm>>, %arg5: memref<4x256x64xf32, #tpu.memory_space<vmem>>, %arg6: memref<128xi32, #tpu.memory_space<vmem>>, %arg7: memref<128xi32, #tpu.memory_space<vmem>>, %arg8: memref<128xi32, #tpu.memory_space<vmem>>, %arg9: memref<128xi32, #tpu.memory_space<vmem>>, %arg10: memref<128xi32, #tpu.memory_space<vmem>>, %arg11: memref<128xi32, #tpu.memory_space<vmem>>, %arg12: memref<128xi32, #tpu.memory_space<vmem>>, %arg13: memref<128xi32, #tpu.memory_space<vmem>>, %arg14: memref<!tpu.dma_semaphore, #tpu.memory_space<semaphore_mem>>, %arg15: memref<!tpu.dma_semaphore, #tpu.memory_space<semaphore_mem>>, %arg16: memref<!tpu.dma_semaphore, #tpu.memory_space<semaphore_mem>>, %arg17: memref<!tpu.dma_semaphore, #tpu.memory_space<semaphore_mem>>) attributes {dimension_semantics = [#tpu.dimension_semantics<core_parallel>, #tpu.dimension_semantics<subcore_parallel>], iteration_bounds = array<i64: 2, 16>, scalar_prefetch = 0 : i64, scratch_operands = 13 : i64, tpu.core_type = #tpu.core_type<sc_vector_subcore>, window_params = [{transform_indices = #map}, {transform_indices = #map1}, {transform_indices = #map1}]} {
    %mul3A = arith.constant 2 : i32
    %mul3A_0 = arith.muli %arg1, %mul3A : i32
    %add3A = arith.addi %mul3A_0, %arg0 : i32
    %mul3A_1 = arith.constant 25600 : i32
    %mul3A_2 = arith.muli %add3A, %mul3A_1 : i32
    %add3A_3 = arith.constant 0 : i32
    %add3A_4 = arith.addi %mul3A_2, %add3A_3 : i32
    %add3A_5 = arith.constant 0 : i32
    %add3A_6 = arith.addi %add3A_4, %add3A_5 : i32
    "tpu.region"() ({
      %run_scoped3A_177 = tpu.sem_alloc : memref<!tpu.dma_semaphore, #tpu.memory_space<semaphore_mem>>
      %dma_start3A_178 = tpu.memref_slice %arg2[%add3A_6] : memref<819200xi32, #tpu.memory_space<hbm>> -> memref<128xi32, #tpu.memory_space<hbm>>
      %dma_start3A_179 = tpu.memref_slice %arg2[%add3A_6] : memref<819200xi32, #tpu.memory_space<hbm>> -> memref<128xi32, #tpu.memory_space<hbm>>
      tpu.enqueue_dma source(%dma_start3A_179 : memref<128xi32, #tpu.memory_space<hbm>>) target(%arg6 : memref<128xi32, #tpu.memory_space<vmem>>) target_semaphore(%run_scoped3A_177 : memref<!tpu.dma_semaphore, #tpu.memory_space<semaphore_mem>>)
      %dma_wait3A_180 = tpu.memref_slice %arg2[%add3A_6] : memref<819200xi32, #tpu.memory_space<hbm>> -> memref<128xi32, #tpu.memory_space<hbm>>
      %dma_wait3A_181 = tpu.memref_slice %arg2[%add3A_6] : memref<819200xi32, #tpu.memory_space<hbm>> -> memref<128xi32, #tpu.memory_space<hbm>>
      tpu.wait_dma2 semaphore(%run_scoped3A_177 : memref<!tpu.dma_semaphore, #tpu.memory_space<semaphore_mem>>) src(%dma_wait3A_181 : memref<128xi32, #tpu.memory_space<hbm>>) dst(%arg6 : memref<128xi32, #tpu.memory_space<vmem>>)
      tpu.yield
    }) : () -> ()
    %dma_start3A = arith.constant 0 : i32
    %dma_start3A_7 = arith.constant 0 : i32
    %dma_start3A_8 = arith.constant 0 : i32
    %dma_start3A_9 = tpu.memref_slice %arg5[%dma_start3A, %dma_start3A_7, %dma_start3A_8] : memref<4x256x64xf32, #tpu.memory_space<vmem>> -> memref<1x128x64xf32, #tpu.memory_space<vmem>>
    %dma_start3A_10 = tpu.memref_squeeze %dma_start3A_9 : memref<1x128x64xf32, #tpu.memory_space<vmem>> -> memref<128x64xf32, #tpu.memory_space<vmem>>
    %dma_start3A_11 = arith.constant 0 : i32
    %dma_start3A_12 = arith.constant 0 : i32
    %dma_start3A_13 = tpu.memref_slice %arg3[%dma_start3A_11, %dma_start3A_12] : memref<1000000x64xf32, #tpu.memory_space<hbm>> -> memref<1000000x64xf32, #tpu.memory_space<hbm>>
    tpu.enqueue_indirect_dma source(%dma_start3A_13 : memref<1000000x64xf32, #tpu.memory_space<hbm>>) target(%dma_start3A_10 : memref<128x64xf32, #tpu.memory_space<vmem>>) offsets(%arg6 : memref<128xi32, #tpu.memory_space<vmem>>) semaphore(%arg14 : memref<!tpu.dma_semaphore, #tpu.memory_space<semaphore_mem>>)
    %add3A_14 = arith.constant 0 : i32
    %add3A_15 = arith.addi %mul3A_2, %add3A_14 : i32
    %add3A_16 = arith.constant 128 : i32
    %add3A_17 = arith.addi %add3A_15, %add3A_16 : i32
    "tpu.region"() ({
      %run_scoped3A_177 = tpu.sem_alloc : memref<!tpu.dma_semaphore, #tpu.memory_space<semaphore_mem>>
      %dma_start3A_178 = tpu.memref_slice %arg2[%add3A_17] : memref<819200xi32, #tpu.memory_space<hbm>> -> memref<128xi32, #tpu.memory_space<hbm>>
      %dma_start3A_179 = tpu.memref_slice %arg2[%add3A_17] : memref<819200xi32, #tpu.memory_space<hbm>> -> memref<128xi32, #tpu.memory_space<hbm>>
      tpu.enqueue_dma source(%dma_start3A_179 : memref<128xi32, #tpu.memory_space<hbm>>) target(%arg7 : memref<128xi32, #tpu.memory_space<vmem>>) target_semaphore(%run_scoped3A_177 : memref<!tpu.dma_semaphore, #tpu.memory_space<semaphore_mem>>)
      %dma_wait3A_180 = tpu.memref_slice %arg2[%add3A_17] : memref<819200xi32, #tpu.memory_space<hbm>> -> memref<128xi32, #tpu.memory_space<hbm>>
      %dma_wait3A_181 = tpu.memref_slice %arg2[%add3A_17] : memref<819200xi32, #tpu.memory_space<hbm>> -> memref<128xi32, #tpu.memory_space<hbm>>
      tpu.wait_dma2 semaphore(%run_scoped3A_177 : memref<!tpu.dma_semaphore, #tpu.memory_space<semaphore_mem>>) src(%dma_wait3A_181 : memref<128xi32, #tpu.memory_space<hbm>>) dst(%arg7 : memref<128xi32, #tpu.memory_space<vmem>>)
      tpu.yield
    }) : () -> ()
    %dma_start3A_18 = arith.constant 0 : i32
    %dma_start3A_19 = arith.constant 128 : i32
    %dma_start3A_20 = arith.constant 0 : i32
    %dma_start3A_21 = tpu.memref_slice %arg5[%dma_start3A_18, %dma_start3A_19, %dma_start3A_20] : memref<4x256x64xf32, #tpu.memory_space<vmem>> -> memref<1x128x64xf32, #tpu.memory_space<vmem>>
    %dma_start3A_22 = tpu.memref_squeeze %dma_start3A_21 : memref<1x128x64xf32, #tpu.memory_space<vmem>> -> memref<128x64xf32, #tpu.memory_space<vmem>>
    %dma_start3A_23 = arith.constant 0 : i32
    %dma_start3A_24 = arith.constant 0 : i32
    %dma_start3A_25 = tpu.memref_slice %arg3[%dma_start3A_23, %dma_start3A_24] : memref<1000000x64xf32, #tpu.memory_space<hbm>> -> memref<1000000x64xf32, #tpu.memory_space<hbm>>
    tpu.enqueue_indirect_dma source(%dma_start3A_25 : memref<1000000x64xf32, #tpu.memory_space<hbm>>) target(%dma_start3A_22 : memref<128x64xf32, #tpu.memory_space<vmem>>) offsets(%arg7 : memref<128xi32, #tpu.memory_space<vmem>>) semaphore(%arg14 : memref<!tpu.dma_semaphore, #tpu.memory_space<semaphore_mem>>)
    %add3A_26 = arith.constant 256 : i32
    %add3A_27 = arith.addi %mul3A_2, %add3A_26 : i32
    %add3A_28 = arith.constant 0 : i32
    %add3A_29 = arith.addi %add3A_27, %add3A_28 : i32
    "tpu.region"() ({
      %run_scoped3A_177 = tpu.sem_alloc : memref<!tpu.dma_semaphore, #tpu.memory_space<semaphore_mem>>
      %dma_start3A_178 = tpu.memref_slice %arg2[%add3A_29] : memref<819200xi32, #tpu.memory_space<hbm>> -> memref<128xi32, #tpu.memory_space<hbm>>
      %dma_start3A_179 = tpu.memref_slice %arg2[%add3A_29] : memref<819200xi32, #tpu.memory_space<hbm>> -> memref<128xi32, #tpu.memory_space<hbm>>
      tpu.enqueue_dma source(%dma_start3A_179 : memref<128xi32, #tpu.memory_space<hbm>>) target(%arg8 : memref<128xi32, #tpu.memory_space<vmem>>) target_semaphore(%run_scoped3A_177 : memref<!tpu.dma_semaphore, #tpu.memory_space<semaphore_mem>>)
      %dma_wait3A_180 = tpu.memref_slice %arg2[%add3A_29] : memref<819200xi32, #tpu.memory_space<hbm>> -> memref<128xi32, #tpu.memory_space<hbm>>
      %dma_wait3A_181 = tpu.memref_slice %arg2[%add3A_29] : memref<819200xi32, #tpu.memory_space<hbm>> -> memref<128xi32, #tpu.memory_space<hbm>>
      tpu.wait_dma2 semaphore(%run_scoped3A_177 : memref<!tpu.dma_semaphore, #tpu.memory_space<semaphore_mem>>) src(%dma_wait3A_181 : memref<128xi32, #tpu.memory_space<hbm>>) dst(%arg8 : memref<128xi32, #tpu.memory_space<vmem>>)
      tpu.yield
    }) : () -> ()
    %dma_start3A_30 = arith.constant 1 : i32
    %dma_start3A_31 = arith.constant 0 : i32
    %dma_start3A_32 = arith.constant 0 : i32
    %dma_start3A_33 = tpu.memref_slice %arg5[%dma_start3A_30, %dma_start3A_31, %dma_start3A_32] : memref<4x256x64xf32, #tpu.memory_space<vmem>> -> memref<1x128x64xf32, #tpu.memory_space<vmem>>
    %dma_start3A_34 = tpu.memref_squeeze %dma_start3A_33 : memref<1x128x64xf32, #tpu.memory_space<vmem>> -> memref<128x64xf32, #tpu.memory_space<vmem>>
    %dma_start3A_35 = arith.constant 0 : i32
    %dma_start3A_36 = arith.constant 0 : i32
    %dma_start3A_37 = tpu.memref_slice %arg3[%dma_start3A_35, %dma_start3A_36] : memref<1000000x64xf32, #tpu.memory_space<hbm>> -> memref<1000000x64xf32, #tpu.memory_space<hbm>>
    tpu.enqueue_indirect_dma source(%dma_start3A_37 : memref<1000000x64xf32, #tpu.memory_space<hbm>>) target(%dma_start3A_34 : memref<128x64xf32, #tpu.memory_space<vmem>>) offsets(%arg8 : memref<128xi32, #tpu.memory_space<vmem>>) semaphore(%arg15 : memref<!tpu.dma_semaphore, #tpu.memory_space<semaphore_mem>>)
    %add3A_38 = arith.constant 256 : i32
    %add3A_39 = arith.addi %mul3A_2, %add3A_38 : i32
    %add3A_40 = arith.constant 128 : i32
    %add3A_41 = arith.addi %add3A_39, %add3A_40 : i32
    "tpu.region"() ({
      %run_scoped3A_177 = tpu.sem_alloc : memref<!tpu.dma_semaphore, #tpu.memory_space<semaphore_mem>>
      %dma_start3A_178 = tpu.memref_slice %arg2[%add3A_41] : memref<819200xi32, #tpu.memory_space<hbm>> -> memref<128xi32, #tpu.memory_space<hbm>>
      %dma_start3A_179 = tpu.memref_slice %arg2[%add3A_41] : memref<819200xi32, #tpu.memory_space<hbm>> -> memref<128xi32, #tpu.memory_space<hbm>>
      tpu.enqueue_dma source(%dma_start3A_179 : memref<128xi32, #tpu.memory_space<hbm>>) target(%arg9 : memref<128xi32, #tpu.memory_space<vmem>>) target_semaphore(%run_scoped3A_177 : memref<!tpu.dma_semaphore, #tpu.memory_space<semaphore_mem>>)
      %dma_wait3A_180 = tpu.memref_slice %arg2[%add3A_41] : memref<819200xi32, #tpu.memory_space<hbm>> -> memref<128xi32, #tpu.memory_space<hbm>>
      %dma_wait3A_181 = tpu.memref_slice %arg2[%add3A_41] : memref<819200xi32, #tpu.memory_space<hbm>> -> memref<128xi32, #tpu.memory_space<hbm>>
      tpu.wait_dma2 semaphore(%run_scoped3A_177 : memref<!tpu.dma_semaphore, #tpu.memory_space<semaphore_mem>>) src(%dma_wait3A_181 : memref<128xi32, #tpu.memory_space<hbm>>) dst(%arg9 : memref<128xi32, #tpu.memory_space<vmem>>)
      tpu.yield
    }) : () -> ()
    %dma_start3A_42 = arith.constant 1 : i32
    %dma_start3A_43 = arith.constant 128 : i32
    %dma_start3A_44 = arith.constant 0 : i32
    %dma_start3A_45 = tpu.memref_slice %arg5[%dma_start3A_42, %dma_start3A_43, %dma_start3A_44] : memref<4x256x64xf32, #tpu.memory_space<vmem>> -> memref<1x128x64xf32, #tpu.memory_space<vmem>>
    %dma_start3A_46 = tpu.memref_squeeze %dma_start3A_45 : memref<1x128x64xf32, #tpu.memory_space<vmem>> -> memref<128x64xf32, #tpu.memory_space<vmem>>
    %dma_start3A_47 = arith.constant 0 : i32
    %dma_start3A_48 = arith.constant 0 : i32
    %dma_start3A_49 = tpu.memref_slice %arg3[%dma_start3A_47, %dma_start3A_48] : memref<1000000x64xf32, #tpu.memory_space<hbm>> -> memref<1000000x64xf32, #tpu.memory_space<hbm>>
    tpu.enqueue_indirect_dma source(%dma_start3A_49 : memref<1000000x64xf32, #tpu.memory_space<hbm>>) target(%dma_start3A_46 : memref<128x64xf32, #tpu.memory_space<vmem>>) offsets(%arg9 : memref<128xi32, #tpu.memory_space<vmem>>) semaphore(%arg15 : memref<!tpu.dma_semaphore, #tpu.memory_space<semaphore_mem>>)
    %add3A_50 = arith.constant 512 : i32
    %add3A_51 = arith.addi %mul3A_2, %add3A_50 : i32
    %add3A_52 = arith.constant 0 : i32
    %add3A_53 = arith.addi %add3A_51, %add3A_52 : i32
    "tpu.region"() ({
      %run_scoped3A_177 = tpu.sem_alloc : memref<!tpu.dma_semaphore, #tpu.memory_space<semaphore_mem>>
      %dma_start3A_178 = tpu.memref_slice %arg2[%add3A_53] : memref<819200xi32, #tpu.memory_space<hbm>> -> memref<128xi32, #tpu.memory_space<hbm>>
      %dma_start3A_179 = tpu.memref_slice %arg2[%add3A_53] : memref<819200xi32, #tpu.memory_space<hbm>> -> memref<128xi32, #tpu.memory_space<hbm>>
      tpu.enqueue_dma source(%dma_start3A_179 : memref<128xi32, #tpu.memory_space<hbm>>) target(%arg10 : memref<128xi32, #tpu.memory_space<vmem>>) target_semaphore(%run_scoped3A_177 : memref<!tpu.dma_semaphore, #tpu.memory_space<semaphore_mem>>)
      %dma_wait3A_180 = tpu.memref_slice %arg2[%add3A_53] : memref<819200xi32, #tpu.memory_space<hbm>> -> memref<128xi32, #tpu.memory_space<hbm>>
      %dma_wait3A_181 = tpu.memref_slice %arg2[%add3A_53] : memref<819200xi32, #tpu.memory_space<hbm>> -> memref<128xi32, #tpu.memory_space<hbm>>
      tpu.wait_dma2 semaphore(%run_scoped3A_177 : memref<!tpu.dma_semaphore, #tpu.memory_space<semaphore_mem>>) src(%dma_wait3A_181 : memref<128xi32, #tpu.memory_space<hbm>>) dst(%arg10 : memref<128xi32, #tpu.memory_space<vmem>>)
      tpu.yield
    }) : () -> ()
    %dma_start3A_54 = arith.constant 2 : i32
    %dma_start3A_55 = arith.constant 0 : i32
    %dma_start3A_56 = arith.constant 0 : i32
    %dma_start3A_57 = tpu.memref_slice %arg5[%dma_start3A_54, %dma_start3A_55, %dma_start3A_56] : memref<4x256x64xf32, #tpu.memory_space<vmem>> -> memref<1x128x64xf32, #tpu.memory_space<vmem>>
    %dma_start3A_58 = tpu.memref_squeeze %dma_start3A_57 : memref<1x128x64xf32, #tpu.memory_space<vmem>> -> memref<128x64xf32, #tpu.memory_space<vmem>>
    %dma_start3A_59 = arith.constant 0 : i32
    %dma_start3A_60 = arith.constant 0 : i32
    %dma_start3A_61 = tpu.memref_slice %arg3[%dma_start3A_59, %dma_start3A_60] : memref<1000000x64xf32, #tpu.memory_space<hbm>> -> memref<1000000x64xf32, #tpu.memory_space<hbm>>
    tpu.enqueue_indirect_dma source(%dma_start3A_61 : memref<1000000x64xf32, #tpu.memory_space<hbm>>) target(%dma_start3A_58 : memref<128x64xf32, #tpu.memory_space<vmem>>) offsets(%arg10 : memref<128xi32, #tpu.memory_space<vmem>>) semaphore(%arg16 : memref<!tpu.dma_semaphore, #tpu.memory_space<semaphore_mem>>)
    %add3A_62 = arith.constant 512 : i32
    %add3A_63 = arith.addi %mul3A_2, %add3A_62 : i32
    %add3A_64 = arith.constant 128 : i32
    %add3A_65 = arith.addi %add3A_63, %add3A_64 : i32
    "tpu.region"() ({
      %run_scoped3A_177 = tpu.sem_alloc : memref<!tpu.dma_semaphore, #tpu.memory_space<semaphore_mem>>
      %dma_start3A_178 = tpu.memref_slice %arg2[%add3A_65] : memref<819200xi32, #tpu.memory_space<hbm>> -> memref<128xi32, #tpu.memory_space<hbm>>
      %dma_start3A_179 = tpu.memref_slice %arg2[%add3A_65] : memref<819200xi32, #tpu.memory_space<hbm>> -> memref<128xi32, #tpu.memory_space<hbm>>
      tpu.enqueue_dma source(%dma_start3A_179 : memref<128xi32, #tpu.memory_space<hbm>>) target(%arg11 : memref<128xi32, #tpu.memory_space<vmem>>) target_semaphore(%run_scoped3A_177 : memref<!tpu.dma_semaphore, #tpu.memory_space<semaphore_mem>>)
      %dma_wait3A_180 = tpu.memref_slice %arg2[%add3A_65] : memref<819200xi32, #tpu.memory_space<hbm>> -> memref<128xi32, #tpu.memory_space<hbm>>
      %dma_wait3A_181 = tpu.memref_slice %arg2[%add3A_65] : memref<819200xi32, #tpu.memory_space<hbm>> -> memref<128xi32, #tpu.memory_space<hbm>>
      tpu.wait_dma2 semaphore(%run_scoped3A_177 : memref<!tpu.dma_semaphore, #tpu.memory_space<semaphore_mem>>) src(%dma_wait3A_181 : memref<128xi32, #tpu.memory_space<hbm>>) dst(%arg11 : memref<128xi32, #tpu.memory_space<vmem>>)
      tpu.yield
    }) : () -> ()
    %dma_start3A_66 = arith.constant 2 : i32
    %dma_start3A_67 = arith.constant 128 : i32
    %dma_start3A_68 = arith.constant 0 : i32
    %dma_start3A_69 = tpu.memref_slice %arg5[%dma_start3A_66, %dma_start3A_67, %dma_start3A_68] : memref<4x256x64xf32, #tpu.memory_space<vmem>> -> memref<1x128x64xf32, #tpu.memory_space<vmem>>
    %dma_start3A_70 = tpu.memref_squeeze %dma_start3A_69 : memref<1x128x64xf32, #tpu.memory_space<vmem>> -> memref<128x64xf32, #tpu.memory_space<vmem>>
    %dma_start3A_71 = arith.constant 0 : i32
    %dma_start3A_72 = arith.constant 0 : i32
    %dma_start3A_73 = tpu.memref_slice %arg3[%dma_start3A_71, %dma_start3A_72] : memref<1000000x64xf32, #tpu.memory_space<hbm>> -> memref<1000000x64xf32, #tpu.memory_space<hbm>>
    tpu.enqueue_indirect_dma source(%dma_start3A_73 : memref<1000000x64xf32, #tpu.memory_space<hbm>>) target(%dma_start3A_70 : memref<128x64xf32, #tpu.memory_space<vmem>>) offsets(%arg11 : memref<128xi32, #tpu.memory_space<vmem>>) semaphore(%arg16 : memref<!tpu.dma_semaphore, #tpu.memory_space<semaphore_mem>>)
    %add3A_74 = arith.constant 768 : i32
    %add3A_75 = arith.addi %mul3A_2, %add3A_74 : i32
    %add3A_76 = arith.constant 0 : i32
    %add3A_77 = arith.addi %add3A_75, %add3A_76 : i32
    "tpu.region"() ({
      %run_scoped3A_177 = tpu.sem_alloc : memref<!tpu.dma_semaphore, #tpu.memory_space<semaphore_mem>>
      %dma_start3A_178 = tpu.memref_slice %arg2[%add3A_77] : memref<819200xi32, #tpu.memory_space<hbm>> -> memref<128xi32, #tpu.memory_space<hbm>>
      %dma_start3A_179 = tpu.memref_slice %arg2[%add3A_77] : memref<819200xi32, #tpu.memory_space<hbm>> -> memref<128xi32, #tpu.memory_space<hbm>>
      tpu.enqueue_dma source(%dma_start3A_179 : memref<128xi32, #tpu.memory_space<hbm>>) target(%arg12 : memref<128xi32, #tpu.memory_space<vmem>>) target_semaphore(%run_scoped3A_177 : memref<!tpu.dma_semaphore, #tpu.memory_space<semaphore_mem>>)
      %dma_wait3A_180 = tpu.memref_slice %arg2[%add3A_77] : memref<819200xi32, #tpu.memory_space<hbm>> -> memref<128xi32, #tpu.memory_space<hbm>>
      %dma_wait3A_181 = tpu.memref_slice %arg2[%add3A_77] : memref<819200xi32, #tpu.memory_space<hbm>> -> memref<128xi32, #tpu.memory_space<hbm>>
      tpu.wait_dma2 semaphore(%run_scoped3A_177 : memref<!tpu.dma_semaphore, #tpu.memory_space<semaphore_mem>>) src(%dma_wait3A_181 : memref<128xi32, #tpu.memory_space<hbm>>) dst(%arg12 : memref<128xi32, #tpu.memory_space<vmem>>)
      tpu.yield
    }) : () -> ()
    %dma_start3A_78 = arith.constant 3 : i32
    %dma_start3A_79 = arith.constant 0 : i32
    %dma_start3A_80 = arith.constant 0 : i32
    %dma_start3A_81 = tpu.memref_slice %arg5[%dma_start3A_78, %dma_start3A_79, %dma_start3A_80] : memref<4x256x64xf32, #tpu.memory_space<vmem>> -> memref<1x128x64xf32, #tpu.memory_space<vmem>>
    %dma_start3A_82 = tpu.memref_squeeze %dma_start3A_81 : memref<1x128x64xf32, #tpu.memory_space<vmem>> -> memref<128x64xf32, #tpu.memory_space<vmem>>
    %dma_start3A_83 = arith.constant 0 : i32
    %dma_start3A_84 = arith.constant 0 : i32
    %dma_start3A_85 = tpu.memref_slice %arg3[%dma_start3A_83, %dma_start3A_84] : memref<1000000x64xf32, #tpu.memory_space<hbm>> -> memref<1000000x64xf32, #tpu.memory_space<hbm>>
    tpu.enqueue_indirect_dma source(%dma_start3A_85 : memref<1000000x64xf32, #tpu.memory_space<hbm>>) target(%dma_start3A_82 : memref<128x64xf32, #tpu.memory_space<vmem>>) offsets(%arg12 : memref<128xi32, #tpu.memory_space<vmem>>) semaphore(%arg17 : memref<!tpu.dma_semaphore, #tpu.memory_space<semaphore_mem>>)
    %add3A_86 = arith.constant 768 : i32
    %add3A_87 = arith.addi %mul3A_2, %add3A_86 : i32
    %add3A_88 = arith.constant 128 : i32
    %add3A_89 = arith.addi %add3A_87, %add3A_88 : i32
    "tpu.region"() ({
      %run_scoped3A_177 = tpu.sem_alloc : memref<!tpu.dma_semaphore, #tpu.memory_space<semaphore_mem>>
      %dma_start3A_178 = tpu.memref_slice %arg2[%add3A_89] : memref<819200xi32, #tpu.memory_space<hbm>> -> memref<128xi32, #tpu.memory_space<hbm>>
      %dma_start3A_179 = tpu.memref_slice %arg2[%add3A_89] : memref<819200xi32, #tpu.memory_space<hbm>> -> memref<128xi32, #tpu.memory_space<hbm>>
      tpu.enqueue_dma source(%dma_start3A_179 : memref<128xi32, #tpu.memory_space<hbm>>) target(%arg13 : memref<128xi32, #tpu.memory_space<vmem>>) target_semaphore(%run_scoped3A_177 : memref<!tpu.dma_semaphore, #tpu.memory_space<semaphore_mem>>)
      %dma_wait3A_180 = tpu.memref_slice %arg2[%add3A_89] : memref<819200xi32, #tpu.memory_space<hbm>> -> memref<128xi32, #tpu.memory_space<hbm>>
      %dma_wait3A_181 = tpu.memref_slice %arg2[%add3A_89] : memref<819200xi32, #tpu.memory_space<hbm>> -> memref<128xi32, #tpu.memory_space<hbm>>
      tpu.wait_dma2 semaphore(%run_scoped3A_177 : memref<!tpu.dma_semaphore, #tpu.memory_space<semaphore_mem>>) src(%dma_wait3A_181 : memref<128xi32, #tpu.memory_space<hbm>>) dst(%arg13 : memref<128xi32, #tpu.memory_space<vmem>>)
      tpu.yield
    }) : () -> ()
    %dma_start3A_90 = arith.constant 3 : i32
    %dma_start3A_91 = arith.constant 128 : i32
    %dma_start3A_92 = arith.constant 0 : i32
    %dma_start3A_93 = tpu.memref_slice %arg5[%dma_start3A_90, %dma_start3A_91, %dma_start3A_92] : memref<4x256x64xf32, #tpu.memory_space<vmem>> -> memref<1x128x64xf32, #tpu.memory_space<vmem>>
    %dma_start3A_94 = tpu.memref_squeeze %dma_start3A_93 : memref<1x128x64xf32, #tpu.memory_space<vmem>> -> memref<128x64xf32, #tpu.memory_space<vmem>>
    %dma_start3A_95 = arith.constant 0 : i32
    %dma_start3A_96 = arith.constant 0 : i32
    %dma_start3A_97 = tpu.memref_slice %arg3[%dma_start3A_95, %dma_start3A_96] : memref<1000000x64xf32, #tpu.memory_space<hbm>> -> memref<1000000x64xf32, #tpu.memory_space<hbm>>
    tpu.enqueue_indirect_dma source(%dma_start3A_97 : memref<1000000x64xf32, #tpu.memory_space<hbm>>) target(%dma_start3A_94 : memref<128x64xf32, #tpu.memory_space<vmem>>) offsets(%arg13 : memref<128xi32, #tpu.memory_space<vmem>>) semaphore(%arg17 : memref<!tpu.dma_semaphore, #tpu.memory_space<semaphore_mem>>)
    %scan3A = arith.constant 0 : i32
    %scan3A_98 = arith.constant 0 : i32
    %scan3A_99 = arith.constant 24 : i32
    %scan3A_100 = arith.addi %scan3A_98, %scan3A_99 : i32
    %scan3A_101 = arith.constant 1 : i32
    scf.for %scan3A_177 = %scan3A_98 to %scan3A_100 step %scan3A_101  : i32 {
      %mul3A_178 = arith.constant 4 : i32
      %mul3A_179 = arith.muli %scan3A_177, %mul3A_178 : i32
      %add3A_180 = arith.constant 0 : i32
      %add3A_181 = arith.addi %mul3A_179, %add3A_180 : i32
      %dma_wait3A_182 = arith.constant 0 : i32
      %dma_wait3A_183 = arith.constant 0 : i32
      %dma_wait3A_184 = arith.constant 0 : i32
      %dma_wait3A_185 = tpu.memref_slice %arg5[%dma_wait3A_182, %dma_wait3A_183, %dma_wait3A_184] : memref<4x256x64xf32, #tpu.memory_space<vmem>> -> memref<1x128x64xf32, #tpu.memory_space<vmem>>
      %dma_wait3A_186 = tpu.memref_squeeze %dma_wait3A_185 : memref<1x128x64xf32, #tpu.memory_space<vmem>> -> memref<128x64xf32, #tpu.memory_space<vmem>>
      %dma_wait3A_187 = arith.constant 0 : i32
      %dma_wait3A_188 = arith.constant 0 : i32
      %dma_wait3A_189 = tpu.memref_slice %arg3[%dma_wait3A_187, %dma_wait3A_188] : memref<1000000x64xf32, #tpu.memory_space<hbm>> -> memref<1000000x64xf32, #tpu.memory_space<hbm>>
      tpu.wait_indirect_dma semaphore(%arg14 : memref<!tpu.dma_semaphore, #tpu.memory_space<semaphore_mem>>) src(%dma_wait3A_189 : memref<1000000x64xf32, #tpu.memory_space<hbm>>) dst(%dma_wait3A_186 : memref<128x64xf32, #tpu.memory_space<vmem>>)
      %dma_wait3A_190 = arith.constant 0 : i32
      %dma_wait3A_191 = arith.constant 128 : i32
      %dma_wait3A_192 = arith.constant 0 : i32
      %dma_wait3A_193 = tpu.memref_slice %arg5[%dma_wait3A_190, %dma_wait3A_191, %dma_wait3A_192] : memref<4x256x64xf32, #tpu.memory_space<vmem>> -> memref<1x128x64xf32, #tpu.memory_space<vmem>>
      %dma_wait3A_194 = tpu.memref_squeeze %dma_wait3A_193 : memref<1x128x64xf32, #tpu.memory_space<vmem>> -> memref<128x64xf32, #tpu.memory_space<vmem>>
      %dma_wait3A_195 = arith.constant 0 : i32
      %dma_wait3A_196 = arith.constant 0 : i32
      %dma_wait3A_197 = tpu.memref_slice %arg3[%dma_wait3A_195, %dma_wait3A_196] : memref<1000000x64xf32, #tpu.memory_space<hbm>> -> memref<1000000x64xf32, #tpu.memory_space<hbm>>
      tpu.wait_indirect_dma semaphore(%arg14 : memref<!tpu.dma_semaphore, #tpu.memory_space<semaphore_mem>>) src(%dma_wait3A_197 : memref<1000000x64xf32, #tpu.memory_space<hbm>>) dst(%dma_wait3A_194 : memref<128x64xf32, #tpu.memory_space<vmem>>)
      %mul3A_198 = arith.constant 256 : i32
      %mul3A_199 = arith.muli %add3A_181, %mul3A_198 : i32
      %add3A_200 = arith.addi %mul3A_2, %mul3A_199 : i32
      %run_scoped3A_201 = arith.constant 0 : i32
      "tpu.region"() ({
        %run_scoped3A_386 = tpu.sem_alloc : memref<!tpu.dma_semaphore, #tpu.memory_space<semaphore_mem>>
        %dma_start3A_387 = arith.constant 0 : i32
        %dma_start3A_388 = arith.constant 0 : i32
        %dma_start3A_389 = tpu.memref_slice %arg5[%run_scoped3A_201, %dma_start3A_387, %dma_start3A_388] : memref<4x256x64xf32, #tpu.memory_space<vmem>> -> memref<1x256x64xf32, #tpu.memory_space<vmem>>
        %dma_start3A_390 = tpu.memref_squeeze %dma_start3A_389 : memref<1x256x64xf32, #tpu.memory_space<vmem>> -> memref<256x64xf32, #tpu.memory_space<vmem>>
        %dma_start3A_391 = arith.constant 0 : i32
        %dma_start3A_392 = tpu.memref_slice %arg4[%add3A_200, %dma_start3A_391] : memref<819200x128xf32, #tpu.memory_space<hbm>> -> memref<256x64xf32, #tpu.memory_space<hbm>>
        %dma_start3A_393 = arith.constant 0 : i32
        %dma_start3A_394 = tpu.memref_slice %arg4[%add3A_200, %dma_start3A_393] : memref<819200x128xf32, #tpu.memory_space<hbm>> -> memref<256x64xf32, #tpu.memory_space<hbm>>
        %dma_start3A_395 = arith.constant 0 : i32
        %dma_start3A_396 = arith.constant 0 : i32
        %dma_start3A_397 = tpu.memref_slice %arg5[%run_scoped3A_201, %dma_start3A_395, %dma_start3A_396] : memref<4x256x64xf32, #tpu.memory_space<vmem>> -> memref<1x256x64xf32, #tpu.memory_space<vmem>>
        %dma_start3A_398 = tpu.memref_squeeze %dma_start3A_397 : memref<1x256x64xf32, #tpu.memory_space<vmem>> -> memref<256x64xf32, #tpu.memory_space<vmem>>
        tpu.enqueue_dma source(%dma_start3A_398 : memref<256x64xf32, #tpu.memory_space<vmem>>) target(%dma_start3A_394 : memref<256x64xf32, #tpu.memory_space<hbm>>) target_semaphore(%run_scoped3A_386 : memref<!tpu.dma_semaphore, #tpu.memory_space<semaphore_mem>>)
        %dma_wait3A_399 = arith.constant 0 : i32
        %dma_wait3A_400 = arith.constant 0 : i32
        %dma_wait3A_401 = tpu.memref_slice %arg5[%run_scoped3A_201, %dma_wait3A_399, %dma_wait3A_400] : memref<4x256x64xf32, #tpu.memory_space<vmem>> -> memref<1x256x64xf32, #tpu.memory_space<vmem>>
        %dma_wait3A_402 = tpu.memref_squeeze %dma_wait3A_401 : memref<1x256x64xf32, #tpu.memory_space<vmem>> -> memref<256x64xf32, #tpu.memory_space<vmem>>
        %dma_wait3A_403 = arith.constant 0 : i32
        %dma_wait3A_404 = tpu.memref_slice %arg4[%add3A_200, %dma_wait3A_403] : memref<819200x128xf32, #tpu.memory_space<hbm>> -> memref<256x64xf32, #tpu.memory_space<hbm>>
        %dma_wait3A_405 = arith.constant 0 : i32
        %dma_wait3A_406 = tpu.memref_slice %arg4[%add3A_200, %dma_wait3A_405] : memref<819200x128xf32, #tpu.memory_space<hbm>> -> memref<256x64xf32, #tpu.memory_space<hbm>>
        %dma_wait3A_407 = arith.constant 0 : i32
        %dma_wait3A_408 = arith.constant 0 : i32
        %dma_wait3A_409 = tpu.memref_slice %arg5[%run_scoped3A_201, %dma_wait3A_407, %dma_wait3A_408] : memref<4x256x64xf32, #tpu.memory_space<vmem>> -> memref<1x256x64xf32, #tpu.memory_space<vmem>>
        %dma_wait3A_410 = tpu.memref_squeeze %dma_wait3A_409 : memref<1x256x64xf32, #tpu.memory_space<vmem>> -> memref<256x64xf32, #tpu.memory_space<vmem>>
        tpu.wait_dma2 semaphore(%run_scoped3A_386 : memref<!tpu.dma_semaphore, #tpu.memory_space<semaphore_mem>>) src(%dma_wait3A_410 : memref<256x64xf32, #tpu.memory_space<vmem>>) dst(%dma_wait3A_406 : memref<256x64xf32, #tpu.memory_space<hbm>>)
        tpu.yield
      }) : () -> ()
      %add3A_202 = arith.constant 4 : i32
      %add3A_203 = arith.addi %add3A_181, %add3A_202 : i32
      %mul3A_204 = arith.constant 256 : i32
      %mul3A_205 = arith.muli %add3A_203, %mul3A_204 : i32
      %add3A_206 = arith.addi %mul3A_2, %mul3A_205 : i32
      %add3A_207 = arith.constant 0 : i32
      %add3A_208 = arith.addi %add3A_206, %add3A_207 : i32
      "tpu.region"() ({
        %run_scoped3A_386 = tpu.sem_alloc : memref<!tpu.dma_semaphore, #tpu.memory_space<semaphore_mem>>
        %dma_start3A_387 = tpu.memref_slice %arg2[%add3A_208] : memref<819200xi32, #tpu.memory_space<hbm>> -> memref<128xi32, #tpu.memory_space<hbm>>
        %dma_start3A_388 = tpu.memref_slice %arg2[%add3A_208] : memref<819200xi32, #tpu.memory_space<hbm>> -> memref<128xi32, #tpu.memory_space<hbm>>
        tpu.enqueue_dma source(%dma_start3A_388 : memref<128xi32, #tpu.memory_space<hbm>>) target(%arg6 : memref<128xi32, #tpu.memory_space<vmem>>) target_semaphore(%run_scoped3A_386 : memref<!tpu.dma_semaphore, #tpu.memory_space<semaphore_mem>>)
        %dma_wait3A_389 = tpu.memref_slice %arg2[%add3A_208] : memref<819200xi32, #tpu.memory_space<hbm>> -> memref<128xi32, #tpu.memory_space<hbm>>
        %dma_wait3A_390 = tpu.memref_slice %arg2[%add3A_208] : memref<819200xi32, #tpu.memory_space<hbm>> -> memref<128xi32, #tpu.memory_space<hbm>>
        tpu.wait_dma2 semaphore(%run_scoped3A_386 : memref<!tpu.dma_semaphore, #tpu.memory_space<semaphore_mem>>) src(%dma_wait3A_390 : memref<128xi32, #tpu.memory_space<hbm>>) dst(%arg6 : memref<128xi32, #tpu.memory_space<vmem>>)
        tpu.yield
      }) : () -> ()
      %dma_start3A_209 = arith.constant 0 : i32
      %dma_start3A_210 = arith.constant 0 : i32
      %dma_start3A_211 = arith.constant 0 : i32
      %dma_start3A_212 = tpu.memref_slice %arg5[%dma_start3A_209, %dma_start3A_210, %dma_start3A_211] : memref<4x256x64xf32, #tpu.memory_space<vmem>> -> memref<1x128x64xf32, #tpu.memory_space<vmem>>
      %dma_start3A_213 = tpu.memref_squeeze %dma_start3A_212 : memref<1x128x64xf32, #tpu.memory_space<vmem>> -> memref<128x64xf32, #tpu.memory_space<vmem>>
      %dma_start3A_214 = arith.constant 0 : i32
      %dma_start3A_215 = arith.constant 0 : i32
      %dma_start3A_216 = tpu.memref_slice %arg3[%dma_start3A_214, %dma_start3A_215] : memref<1000000x64xf32, #tpu.memory_space<hbm>> -> memref<1000000x64xf32, #tpu.memory_space<hbm>>
      tpu.enqueue_indirect_dma source(%dma_start3A_216 : memref<1000000x64xf32, #tpu.memory_space<hbm>>) target(%dma_start3A_213 : memref<128x64xf32, #tpu.memory_space<vmem>>) offsets(%arg6 : memref<128xi32, #tpu.memory_space<vmem>>) semaphore(%arg14 : memref<!tpu.dma_semaphore, #tpu.memory_space<semaphore_mem>>)
      %mul3A_217 = arith.constant 256 : i32
      %mul3A_218 = arith.muli %add3A_203, %mul3A_217 : i32
      %add3A_219 = arith.addi %mul3A_2, %mul3A_218 : i32
      %add3A_220 = arith.constant 128 : i32
      %add3A_221 = arith.addi %add3A_219, %add3A_220 : i32
      "tpu.region"() ({
        %run_scoped3A_386 = tpu.sem_alloc : memref<!tpu.dma_semaphore, #tpu.memory_space<semaphore_mem>>
        %dma_start3A_387 = tpu.memref_slice %arg2[%add3A_221] : memref<819200xi32, #tpu.memory_space<hbm>> -> memref<128xi32, #tpu.memory_space<hbm>>
        %dma_start3A_388 = tpu.memref_slice %arg2[%add3A_221] : memref<819200xi32, #tpu.memory_space<hbm>> -> memref<128xi32, #tpu.memory_space<hbm>>
        tpu.enqueue_dma source(%dma_start3A_388 : memref<128xi32, #tpu.memory_space<hbm>>) target(%arg7 : memref<128xi32, #tpu.memory_space<vmem>>) target_semaphore(%run_scoped3A_386 : memref<!tpu.dma_semaphore, #tpu.memory_space<semaphore_mem>>)
        %dma_wait3A_389 = tpu.memref_slice %arg2[%add3A_221] : memref<819200xi32, #tpu.memory_space<hbm>> -> memref<128xi32, #tpu.memory_space<hbm>>
        %dma_wait3A_390 = tpu.memref_slice %arg2[%add3A_221] : memref<819200xi32, #tpu.memory_space<hbm>> -> memref<128xi32, #tpu.memory_space<hbm>>
        tpu.wait_dma2 semaphore(%run_scoped3A_386 : memref<!tpu.dma_semaphore, #tpu.memory_space<semaphore_mem>>) src(%dma_wait3A_390 : memref<128xi32, #tpu.memory_space<hbm>>) dst(%arg7 : memref<128xi32, #tpu.memory_space<vmem>>)
        tpu.yield
      }) : () -> ()
      %dma_start3A_222 = arith.constant 0 : i32
      %dma_start3A_223 = arith.constant 128 : i32
      %dma_start3A_224 = arith.constant 0 : i32
      %dma_start3A_225 = tpu.memref_slice %arg5[%dma_start3A_222, %dma_start3A_223, %dma_start3A_224] : memref<4x256x64xf32, #tpu.memory_space<vmem>> -> memref<1x128x64xf32, #tpu.memory_space<vmem>>
      %dma_start3A_226 = tpu.memref_squeeze %dma_start3A_225 : memref<1x128x64xf32, #tpu.memory_space<vmem>> -> memref<128x64xf32, #tpu.memory_space<vmem>>
      %dma_start3A_227 = arith.constant 0 : i32
      %dma_start3A_228 = arith.constant 0 : i32
      %dma_start3A_229 = tpu.memref_slice %arg3[%dma_start3A_227, %dma_start3A_228] : memref<1000000x64xf32, #tpu.memory_space<hbm>> -> memref<1000000x64xf32, #tpu.memory_space<hbm>>
      tpu.enqueue_indirect_dma source(%dma_start3A_229 : memref<1000000x64xf32, #tpu.memory_space<hbm>>) target(%dma_start3A_226 : memref<128x64xf32, #tpu.memory_space<vmem>>) offsets(%arg7 : memref<128xi32, #tpu.memory_space<vmem>>) semaphore(%arg14 : memref<!tpu.dma_semaphore, #tpu.memory_space<semaphore_mem>>)
      %mul3A_230 = arith.constant 4 : i32
      %mul3A_231 = arith.muli %scan3A_177, %mul3A_230 : i32
      %add3A_232 = arith.constant 1 : i32
      %add3A_233 = arith.addi %mul3A_231, %add3A_232 : i32
      %dma_wait3A_234 = arith.constant 1 : i32
      %dma_wait3A_235 = arith.constant 0 : i32
      %dma_wait3A_236 = arith.constant 0 : i32
      %dma_wait3A_237 = tpu.memref_slice %arg5[%dma_wait3A_234, %dma_wait3A_235, %dma_wait3A_236] : memref<4x256x64xf32, #tpu.memory_space<vmem>> -> memref<1x128x64xf32, #tpu.memory_space<vmem>>
      %dma_wait3A_238 = tpu.memref_squeeze %dma_wait3A_237 : memref<1x128x64xf32, #tpu.memory_space<vmem>> -> memref<128x64xf32, #tpu.memory_space<vmem>>
      %dma_wait3A_239 = arith.constant 0 : i32
      %dma_wait3A_240 = arith.constant 0 : i32
      %dma_wait3A_241 = tpu.memref_slice %arg3[%dma_wait3A_239, %dma_wait3A_240] : memref<1000000x64xf32, #tpu.memory_space<hbm>> -> memref<1000000x64xf32, #tpu.memory_space<hbm>>
      tpu.wait_indirect_dma semaphore(%arg15 : memref<!tpu.dma_semaphore, #tpu.memory_space<semaphore_mem>>) src(%dma_wait3A_241 : memref<1000000x64xf32, #tpu.memory_space<hbm>>) dst(%dma_wait3A_238 : memref<128x64xf32, #tpu.memory_space<vmem>>)
      %dma_wait3A_242 = arith.constant 1 : i32
      %dma_wait3A_243 = arith.constant 128 : i32
      %dma_wait3A_244 = arith.constant 0 : i32
      %dma_wait3A_245 = tpu.memref_slice %arg5[%dma_wait3A_242, %dma_wait3A_243, %dma_wait3A_244] : memref<4x256x64xf32, #tpu.memory_space<vmem>> -> memref<1x128x64xf32, #tpu.memory_space<vmem>>
      %dma_wait3A_246 = tpu.memref_squeeze %dma_wait3A_245 : memref<1x128x64xf32, #tpu.memory_space<vmem>> -> memref<128x64xf32, #tpu.memory_space<vmem>>
      %dma_wait3A_247 = arith.constant 0 : i32
      %dma_wait3A_248 = arith.constant 0 : i32
      %dma_wait3A_249 = tpu.memref_slice %arg3[%dma_wait3A_247, %dma_wait3A_248] : memref<1000000x64xf32, #tpu.memory_space<hbm>> -> memref<1000000x64xf32, #tpu.memory_space<hbm>>
      tpu.wait_indirect_dma semaphore(%arg15 : memref<!tpu.dma_semaphore, #tpu.memory_space<semaphore_mem>>) src(%dma_wait3A_249 : memref<1000000x64xf32, #tpu.memory_space<hbm>>) dst(%dma_wait3A_246 : memref<128x64xf32, #tpu.memory_space<vmem>>)
      %mul3A_250 = arith.constant 256 : i32
      %mul3A_251 = arith.muli %add3A_233, %mul3A_250 : i32
      %add3A_252 = arith.addi %mul3A_2, %mul3A_251 : i32
      %run_scoped3A_253 = arith.constant 1 : i32
      "tpu.region"() ({
        %run_scoped3A_386 = tpu.sem_alloc : memref<!tpu.dma_semaphore, #tpu.memory_space<semaphore_mem>>
        %dma_start3A_387 = arith.constant 0 : i32
        %dma_start3A_388 = arith.constant 0 : i32
        %dma_start3A_389 = tpu.memref_slice %arg5[%run_scoped3A_253, %dma_start3A_387, %dma_start3A_388] : memref<4x256x64xf32, #tpu.memory_space<vmem>> -> memref<1x256x64xf32, #tpu.memory_space<vmem>>
        %dma_start3A_390 = tpu.memref_squeeze %dma_start3A_389 : memref<1x256x64xf32, #tpu.memory_space<vmem>> -> memref<256x64xf32, #tpu.memory_space<vmem>>
        %dma_start3A_391 = arith.constant 0 : i32
        %dma_start3A_392 = tpu.memref_slice %arg4[%add3A_252, %dma_start3A_391] : memref<819200x128xf32, #tpu.memory_space<hbm>> -> memref<256x64xf32, #tpu.memory_space<hbm>>
        %dma_start3A_393 = arith.constant 0 : i32
        %dma_start3A_394 = tpu.memref_slice %arg4[%add3A_252, %dma_start3A_393] : memref<819200x128xf32, #tpu.memory_space<hbm>> -> memref<256x64xf32, #tpu.memory_space<hbm>>
        %dma_start3A_395 = arith.constant 0 : i32
        %dma_start3A_396 = arith.constant 0 : i32
        %dma_start3A_397 = tpu.memref_slice %arg5[%run_scoped3A_253, %dma_start3A_395, %dma_start3A_396] : memref<4x256x64xf32, #tpu.memory_space<vmem>> -> memref<1x256x64xf32, #tpu.memory_space<vmem>>
        %dma_start3A_398 = tpu.memref_squeeze %dma_start3A_397 : memref<1x256x64xf32, #tpu.memory_space<vmem>> -> memref<256x64xf32, #tpu.memory_space<vmem>>
        tpu.enqueue_dma source(%dma_start3A_398 : memref<256x64xf32, #tpu.memory_space<vmem>>) target(%dma_start3A_394 : memref<256x64xf32, #tpu.memory_space<hbm>>) target_semaphore(%run_scoped3A_386 : memref<!tpu.dma_semaphore, #tpu.memory_space<semaphore_mem>>)
        %dma_wait3A_399 = arith.constant 0 : i32
        %dma_wait3A_400 = arith.constant 0 : i32
        %dma_wait3A_401 = tpu.memref_slice %arg5[%run_scoped3A_253, %dma_wait3A_399, %dma_wait3A_400] : memref<4x256x64xf32, #tpu.memory_space<vmem>> -> memref<1x256x64xf32, #tpu.memory_space<vmem>>
        %dma_wait3A_402 = tpu.memref_squeeze %dma_wait3A_401 : memref<1x256x64xf32, #tpu.memory_space<vmem>> -> memref<256x64xf32, #tpu.memory_space<vmem>>
        %dma_wait3A_403 = arith.constant 0 : i32
        %dma_wait3A_404 = tpu.memref_slice %arg4[%add3A_252, %dma_wait3A_403] : memref<819200x128xf32, #tpu.memory_space<hbm>> -> memref<256x64xf32, #tpu.memory_space<hbm>>
        %dma_wait3A_405 = arith.constant 0 : i32
        %dma_wait3A_406 = tpu.memref_slice %arg4[%add3A_252, %dma_wait3A_405] : memref<819200x128xf32, #tpu.memory_space<hbm>> -> memref<256x64xf32, #tpu.memory_space<hbm>>
        %dma_wait3A_407 = arith.constant 0 : i32
        %dma_wait3A_408 = arith.constant 0 : i32
        %dma_wait3A_409 = tpu.memref_slice %arg5[%run_scoped3A_253, %dma_wait3A_407, %dma_wait3A_408] : memref<4x256x64xf32, #tpu.memory_space<vmem>> -> memref<1x256x64xf32, #tpu.memory_space<vmem>>
        %dma_wait3A_410 = tpu.memref_squeeze %dma_wait3A_409 : memref<1x256x64xf32, #tpu.memory_space<vmem>> -> memref<256x64xf32, #tpu.memory_space<vmem>>
        tpu.wait_dma2 semaphore(%run_scoped3A_386 : memref<!tpu.dma_semaphore, #tpu.memory_space<semaphore_mem>>) src(%dma_wait3A_410 : memref<256x64xf32, #tpu.memory_space<vmem>>) dst(%dma_wait3A_406 : memref<256x64xf32, #tpu.memory_space<hbm>>)
        tpu.yield
      }) : () -> ()
      %add3A_254 = arith.constant 4 : i32
      %add3A_255 = arith.addi %add3A_233, %add3A_254 : i32
      %mul3A_256 = arith.constant 256 : i32
      %mul3A_257 = arith.muli %add3A_255, %mul3A_256 : i32
      %add3A_258 = arith.addi %mul3A_2, %mul3A_257 : i32
      %add3A_259 = arith.constant 0 : i32
      %add3A_260 = arith.addi %add3A_258, %add3A_259 : i32
      "tpu.region"() ({
        %run_scoped3A_386 = tpu.sem_alloc : memref<!tpu.dma_semaphore, #tpu.memory_space<semaphore_mem>>
        %dma_start3A_387 = tpu.memref_slice %arg2[%add3A_260] : memref<819200xi32, #tpu.memory_space<hbm>> -> memref<128xi32, #tpu.memory_space<hbm>>
        %dma_start3A_388 = tpu.memref_slice %arg2[%add3A_260] : memref<819200xi32, #tpu.memory_space<hbm>> -> memref<128xi32, #tpu.memory_space<hbm>>
        tpu.enqueue_dma source(%dma_start3A_388 : memref<128xi32, #tpu.memory_space<hbm>>) target(%arg8 : memref<128xi32, #tpu.memory_space<vmem>>) target_semaphore(%run_scoped3A_386 : memref<!tpu.dma_semaphore, #tpu.memory_space<semaphore_mem>>)
        %dma_wait3A_389 = tpu.memref_slice %arg2[%add3A_260] : memref<819200xi32, #tpu.memory_space<hbm>> -> memref<128xi32, #tpu.memory_space<hbm>>
        %dma_wait3A_390 = tpu.memref_slice %arg2[%add3A_260] : memref<819200xi32, #tpu.memory_space<hbm>> -> memref<128xi32, #tpu.memory_space<hbm>>
        tpu.wait_dma2 semaphore(%run_scoped3A_386 : memref<!tpu.dma_semaphore, #tpu.memory_space<semaphore_mem>>) src(%dma_wait3A_390 : memref<128xi32, #tpu.memory_space<hbm>>) dst(%arg8 : memref<128xi32, #tpu.memory_space<vmem>>)
        tpu.yield
      }) : () -> ()
      %dma_start3A_261 = arith.constant 1 : i32
      %dma_start3A_262 = arith.constant 0 : i32
      %dma_start3A_263 = arith.constant 0 : i32
      %dma_start3A_264 = tpu.memref_slice %arg5[%dma_start3A_261, %dma_start3A_262, %dma_start3A_263] : memref<4x256x64xf32, #tpu.memory_space<vmem>> -> memref<1x128x64xf32, #tpu.memory_space<vmem>>
      %dma_start3A_265 = tpu.memref_squeeze %dma_start3A_264 : memref<1x128x64xf32, #tpu.memory_space<vmem>> -> memref<128x64xf32, #tpu.memory_space<vmem>>
      %dma_start3A_266 = arith.constant 0 : i32
      %dma_start3A_267 = arith.constant 0 : i32
      %dma_start3A_268 = tpu.memref_slice %arg3[%dma_start3A_266, %dma_start3A_267] : memref<1000000x64xf32, #tpu.memory_space<hbm>> -> memref<1000000x64xf32, #tpu.memory_space<hbm>>
      tpu.enqueue_indirect_dma source(%dma_start3A_268 : memref<1000000x64xf32, #tpu.memory_space<hbm>>) target(%dma_start3A_265 : memref<128x64xf32, #tpu.memory_space<vmem>>) offsets(%arg8 : memref<128xi32, #tpu.memory_space<vmem>>) semaphore(%arg15 : memref<!tpu.dma_semaphore, #tpu.memory_space<semaphore_mem>>)
      %mul3A_269 = arith.constant 256 : i32
      %mul3A_270 = arith.muli %add3A_255, %mul3A_269 : i32
      %add3A_271 = arith.addi %mul3A_2, %mul3A_270 : i32
      %add3A_272 = arith.constant 128 : i32
      %add3A_273 = arith.addi %add3A_271, %add3A_272 : i32
      "tpu.region"() ({
        %run_scoped3A_386 = tpu.sem_alloc : memref<!tpu.dma_semaphore, #tpu.memory_space<semaphore_mem>>
        %dma_start3A_387 = tpu.memref_slice %arg2[%add3A_273] : memref<819200xi32, #tpu.memory_space<hbm>> -> memref<128xi32, #tpu.memory_space<hbm>>
        %dma_start3A_388 = tpu.memref_slice %arg2[%add3A_273] : memref<819200xi32, #tpu.memory_space<hbm>> -> memref<128xi32, #tpu.memory_space<hbm>>
        tpu.enqueue_dma source(%dma_start3A_388 : memref<128xi32, #tpu.memory_space<hbm>>) target(%arg9 : memref<128xi32, #tpu.memory_space<vmem>>) target_semaphore(%run_scoped3A_386 : memref<!tpu.dma_semaphore, #tpu.memory_space<semaphore_mem>>)
        %dma_wait3A_389 = tpu.memref_slice %arg2[%add3A_273] : memref<819200xi32, #tpu.memory_space<hbm>> -> memref<128xi32, #tpu.memory_space<hbm>>
        %dma_wait3A_390 = tpu.memref_slice %arg2[%add3A_273] : memref<819200xi32, #tpu.memory_space<hbm>> -> memref<128xi32, #tpu.memory_space<hbm>>
        tpu.wait_dma2 semaphore(%run_scoped3A_386 : memref<!tpu.dma_semaphore, #tpu.memory_space<semaphore_mem>>) src(%dma_wait3A_390 : memref<128xi32, #tpu.memory_space<hbm>>) dst(%arg9 : memref<128xi32, #tpu.memory_space<vmem>>)
        tpu.yield
      }) : () -> ()
      %dma_start3A_274 = arith.constant 1 : i32
      %dma_start3A_275 = arith.constant 128 : i32
      %dma_start3A_276 = arith.constant 0 : i32
      %dma_start3A_277 = tpu.memref_slice %arg5[%dma_start3A_274, %dma_start3A_275, %dma_start3A_276] : memref<4x256x64xf32, #tpu.memory_space<vmem>> -> memref<1x128x64xf32, #tpu.memory_space<vmem>>
      %dma_start3A_278 = tpu.memref_squeeze %dma_start3A_277 : memref<1x128x64xf32, #tpu.memory_space<vmem>> -> memref<128x64xf32, #tpu.memory_space<vmem>>
      %dma_start3A_279 = arith.constant 0 : i32
      %dma_start3A_280 = arith.constant 0 : i32
      %dma_start3A_281 = tpu.memref_slice %arg3[%dma_start3A_279, %dma_start3A_280] : memref<1000000x64xf32, #tpu.memory_space<hbm>> -> memref<1000000x64xf32, #tpu.memory_space<hbm>>
      tpu.enqueue_indirect_dma source(%dma_start3A_281 : memref<1000000x64xf32, #tpu.memory_space<hbm>>) target(%dma_start3A_278 : memref<128x64xf32, #tpu.memory_space<vmem>>) offsets(%arg9 : memref<128xi32, #tpu.memory_space<vmem>>) semaphore(%arg15 : memref<!tpu.dma_semaphore, #tpu.memory_space<semaphore_mem>>)
      %mul3A_282 = arith.constant 4 : i32
      %mul3A_283 = arith.muli %scan3A_177, %mul3A_282 : i32
      %add3A_284 = arith.constant 2 : i32
      %add3A_285 = arith.addi %mul3A_283, %add3A_284 : i32
      %dma_wait3A_286 = arith.constant 2 : i32
      %dma_wait3A_287 = arith.constant 0 : i32
      %dma_wait3A_288 = arith.constant 0 : i32
      %dma_wait3A_289 = tpu.memref_slice %arg5[%dma_wait3A_286, %dma_wait3A_287, %dma_wait3A_288] : memref<4x256x64xf32, #tpu.memory_space<vmem>> -> memref<1x128x64xf32, #tpu.memory_space<vmem>>
      %dma_wait3A_290 = tpu.memref_squeeze %dma_wait3A_289 : memref<1x128x64xf32, #tpu.memory_space<vmem>> -> memref<128x64xf32, #tpu.memory_space<vmem>>
      %dma_wait3A_291 = arith.constant 0 : i32
      %dma_wait3A_292 = arith.constant 0 : i32
      %dma_wait3A_293 = tpu.memref_slice %arg3[%dma_wait3A_291, %dma_wait3A_292] : memref<1000000x64xf32, #tpu.memory_space<hbm>> -> memref<1000000x64xf32, #tpu.memory_space<hbm>>
      tpu.wait_indirect_dma semaphore(%arg16 : memref<!tpu.dma_semaphore, #tpu.memory_space<semaphore_mem>>) src(%dma_wait3A_293 : memref<1000000x64xf32, #tpu.memory_space<hbm>>) dst(%dma_wait3A_290 : memref<128x64xf32, #tpu.memory_space<vmem>>)
      %dma_wait3A_294 = arith.constant 2 : i32
      %dma_wait3A_295 = arith.constant 128 : i32
      %dma_wait3A_296 = arith.constant 0 : i32
      %dma_wait3A_297 = tpu.memref_slice %arg5[%dma_wait3A_294, %dma_wait3A_295, %dma_wait3A_296] : memref<4x256x64xf32, #tpu.memory_space<vmem>> -> memref<1x128x64xf32, #tpu.memory_space<vmem>>
      %dma_wait3A_298 = tpu.memref_squeeze %dma_wait3A_297 : memref<1x128x64xf32, #tpu.memory_space<vmem>> -> memref<128x64xf32, #tpu.memory_space<vmem>>
      %dma_wait3A_299 = arith.constant 0 : i32
      %dma_wait3A_300 = arith.constant 0 : i32
      %dma_wait3A_301 = tpu.memref_slice %arg3[%dma_wait3A_299, %dma_wait3A_300] : memref<1000000x64xf32, #tpu.memory_space<hbm>> -> memref<1000000x64xf32, #tpu.memory_space<hbm>>
      tpu.wait_indirect_dma semaphore(%arg16 : memref<!tpu.dma_semaphore, #tpu.memory_space<semaphore_mem>>) src(%dma_wait3A_301 : memref<1000000x64xf32, #tpu.memory_space<hbm>>) dst(%dma_wait3A_298 : memref<128x64xf32, #tpu.memory_space<vmem>>)
      %mul3A_302 = arith.constant 256 : i32
      %mul3A_303 = arith.muli %add3A_285, %mul3A_302 : i32
      %add3A_304 = arith.addi %mul3A_2, %mul3A_303 : i32
      %run_scoped3A_305 = arith.constant 2 : i32
      "tpu.region"() ({
        %run_scoped3A_386 = tpu.sem_alloc : memref<!tpu.dma_semaphore, #tpu.memory_space<semaphore_mem>>
        %dma_start3A_387 = arith.constant 0 : i32
        %dma_start3A_388 = arith.constant 0 : i32
        %dma_start3A_389 = tpu.memref_slice %arg5[%run_scoped3A_305, %dma_start3A_387, %dma_start3A_388] : memref<4x256x64xf32, #tpu.memory_space<vmem>> -> memref<1x256x64xf32, #tpu.memory_space<vmem>>
        %dma_start3A_390 = tpu.memref_squeeze %dma_start3A_389 : memref<1x256x64xf32, #tpu.memory_space<vmem>> -> memref<256x64xf32, #tpu.memory_space<vmem>>
        %dma_start3A_391 = arith.constant 0 : i32
        %dma_start3A_392 = tpu.memref_slice %arg4[%add3A_304, %dma_start3A_391] : memref<819200x128xf32, #tpu.memory_space<hbm>> -> memref<256x64xf32, #tpu.memory_space<hbm>>
        %dma_start3A_393 = arith.constant 0 : i32
        %dma_start3A_394 = tpu.memref_slice %arg4[%add3A_304, %dma_start3A_393] : memref<819200x128xf32, #tpu.memory_space<hbm>> -> memref<256x64xf32, #tpu.memory_space<hbm>>
        %dma_start3A_395 = arith.constant 0 : i32
        %dma_start3A_396 = arith.constant 0 : i32
        %dma_start3A_397 = tpu.memref_slice %arg5[%run_scoped3A_305, %dma_start3A_395, %dma_start3A_396] : memref<4x256x64xf32, #tpu.memory_space<vmem>> -> memref<1x256x64xf32, #tpu.memory_space<vmem>>
        %dma_start3A_398 = tpu.memref_squeeze %dma_start3A_397 : memref<1x256x64xf32, #tpu.memory_space<vmem>> -> memref<256x64xf32, #tpu.memory_space<vmem>>
        tpu.enqueue_dma source(%dma_start3A_398 : memref<256x64xf32, #tpu.memory_space<vmem>>) target(%dma_start3A_394 : memref<256x64xf32, #tpu.memory_space<hbm>>) target_semaphore(%run_scoped3A_386 : memref<!tpu.dma_semaphore, #tpu.memory_space<semaphore_mem>>)
        %dma_wait3A_399 = arith.constant 0 : i32
        %dma_wait3A_400 = arith.constant 0 : i32
        %dma_wait3A_401 = tpu.memref_slice %arg5[%run_scoped3A_305, %dma_wait3A_399, %dma_wait3A_400] : memref<4x256x64xf32, #tpu.memory_space<vmem>> -> memref<1x256x64xf32, #tpu.memory_space<vmem>>
        %dma_wait3A_402 = tpu.memref_squeeze %dma_wait3A_401 : memref<1x256x64xf32, #tpu.memory_space<vmem>> -> memref<256x64xf32, #tpu.memory_space<vmem>>
        %dma_wait3A_403 = arith.constant 0 : i32
        %dma_wait3A_404 = tpu.memref_slice %arg4[%add3A_304, %dma_wait3A_403] : memref<819200x128xf32, #tpu.memory_space<hbm>> -> memref<256x64xf32, #tpu.memory_space<hbm>>
        %dma_wait3A_405 = arith.constant 0 : i32
        %dma_wait3A_406 = tpu.memref_slice %arg4[%add3A_304, %dma_wait3A_405] : memref<819200x128xf32, #tpu.memory_space<hbm>> -> memref<256x64xf32, #tpu.memory_space<hbm>>
        %dma_wait3A_407 = arith.constant 0 : i32
        %dma_wait3A_408 = arith.constant 0 : i32
        %dma_wait3A_409 = tpu.memref_slice %arg5[%run_scoped3A_305, %dma_wait3A_407, %dma_wait3A_408] : memref<4x256x64xf32, #tpu.memory_space<vmem>> -> memref<1x256x64xf32, #tpu.memory_space<vmem>>
        %dma_wait3A_410 = tpu.memref_squeeze %dma_wait3A_409 : memref<1x256x64xf32, #tpu.memory_space<vmem>> -> memref<256x64xf32, #tpu.memory_space<vmem>>
        tpu.wait_dma2 semaphore(%run_scoped3A_386 : memref<!tpu.dma_semaphore, #tpu.memory_space<semaphore_mem>>) src(%dma_wait3A_410 : memref<256x64xf32, #tpu.memory_space<vmem>>) dst(%dma_wait3A_406 : memref<256x64xf32, #tpu.memory_space<hbm>>)
        tpu.yield
      }) : () -> ()
      %add3A_306 = arith.constant 4 : i32
      %add3A_307 = arith.addi %add3A_285, %add3A_306 : i32
      %mul3A_308 = arith.constant 256 : i32
      %mul3A_309 = arith.muli %add3A_307, %mul3A_308 : i32
      %add3A_310 = arith.addi %mul3A_2, %mul3A_309 : i32
      %add3A_311 = arith.constant 0 : i32
      %add3A_312 = arith.addi %add3A_310, %add3A_311 : i32
      "tpu.region"() ({
        %run_scoped3A_386 = tpu.sem_alloc : memref<!tpu.dma_semaphore, #tpu.memory_space<semaphore_mem>>
        %dma_start3A_387 = tpu.memref_slice %arg2[%add3A_312] : memref<819200xi32, #tpu.memory_space<hbm>> -> memref<128xi32, #tpu.memory_space<hbm>>
        %dma_start3A_388 = tpu.memref_slice %arg2[%add3A_312] : memref<819200xi32, #tpu.memory_space<hbm>> -> memref<128xi32, #tpu.memory_space<hbm>>
        tpu.enqueue_dma source(%dma_start3A_388 : memref<128xi32, #tpu.memory_space<hbm>>) target(%arg10 : memref<128xi32, #tpu.memory_space<vmem>>) target_semaphore(%run_scoped3A_386 : memref<!tpu.dma_semaphore, #tpu.memory_space<semaphore_mem>>)
        %dma_wait3A_389 = tpu.memref_slice %arg2[%add3A_312] : memref<819200xi32, #tpu.memory_space<hbm>> -> memref<128xi32, #tpu.memory_space<hbm>>
        %dma_wait3A_390 = tpu.memref_slice %arg2[%add3A_312] : memref<819200xi32, #tpu.memory_space<hbm>> -> memref<128xi32, #tpu.memory_space<hbm>>
        tpu.wait_dma2 semaphore(%run_scoped3A_386 : memref<!tpu.dma_semaphore, #tpu.memory_space<semaphore_mem>>) src(%dma_wait3A_390 : memref<128xi32, #tpu.memory_space<hbm>>) dst(%arg10 : memref<128xi32, #tpu.memory_space<vmem>>)
        tpu.yield
      }) : () -> ()
      %dma_start3A_313 = arith.constant 2 : i32
      %dma_start3A_314 = arith.constant 0 : i32
      %dma_start3A_315 = arith.constant 0 : i32
      %dma_start3A_316 = tpu.memref_slice %arg5[%dma_start3A_313, %dma_start3A_314, %dma_start3A_315] : memref<4x256x64xf32, #tpu.memory_space<vmem>> -> memref<1x128x64xf32, #tpu.memory_space<vmem>>
      %dma_start3A_317 = tpu.memref_squeeze %dma_start3A_316 : memref<1x128x64xf32, #tpu.memory_space<vmem>> -> memref<128x64xf32, #tpu.memory_space<vmem>>
      %dma_start3A_318 = arith.constant 0 : i32
      %dma_start3A_319 = arith.constant 0 : i32
      %dma_start3A_320 = tpu.memref_slice %arg3[%dma_start3A_318, %dma_start3A_319] : memref<1000000x64xf32, #tpu.memory_space<hbm>> -> memref<1000000x64xf32, #tpu.memory_space<hbm>>
      tpu.enqueue_indirect_dma source(%dma_start3A_320 : memref<1000000x64xf32, #tpu.memory_space<hbm>>) target(%dma_start3A_317 : memref<128x64xf32, #tpu.memory_space<vmem>>) offsets(%arg10 : memref<128xi32, #tpu.memory_space<vmem>>) semaphore(%arg16 : memref<!tpu.dma_semaphore, #tpu.memory_space<semaphore_mem>>)
      %mul3A_321 = arith.constant 256 : i32
      %mul3A_322 = arith.muli %add3A_307, %mul3A_321 : i32
      %add3A_323 = arith.addi %mul3A_2, %mul3A_322 : i32
      %add3A_324 = arith.constant 128 : i32
      %add3A_325 = arith.addi %add3A_323, %add3A_324 : i32
      "tpu.region"() ({
        %run_scoped3A_386 = tpu.sem_alloc : memref<!tpu.dma_semaphore, #tpu.memory_space<semaphore_mem>>
        %dma_start3A_387 = tpu.memref_slice %arg2[%add3A_325] : memref<819200xi32, #tpu.memory_space<hbm>> -> memref<128xi32, #tpu.memory_space<hbm>>
        %dma_start3A_388 = tpu.memref_slice %arg2[%add3A_325] : memref<819200xi32, #tpu.memory_space<hbm>> -> memref<128xi32, #tpu.memory_space<hbm>>
        tpu.enqueue_dma source(%dma_start3A_388 : memref<128xi32, #tpu.memory_space<hbm>>) target(%arg11 : memref<128xi32, #tpu.memory_space<vmem>>) target_semaphore(%run_scoped3A_386 : memref<!tpu.dma_semaphore, #tpu.memory_space<semaphore_mem>>)
        %dma_wait3A_389 = tpu.memref_slice %arg2[%add3A_325] : memref<819200xi32, #tpu.memory_space<hbm>> -> memref<128xi32, #tpu.memory_space<hbm>>
        %dma_wait3A_390 = tpu.memref_slice %arg2[%add3A_325] : memref<819200xi32, #tpu.memory_space<hbm>> -> memref<128xi32, #tpu.memory_space<hbm>>
        tpu.wait_dma2 semaphore(%run_scoped3A_386 : memref<!tpu.dma_semaphore, #tpu.memory_space<semaphore_mem>>) src(%dma_wait3A_390 : memref<128xi32, #tpu.memory_space<hbm>>) dst(%arg11 : memref<128xi32, #tpu.memory_space<vmem>>)
        tpu.yield
      }) : () -> ()
      %dma_start3A_326 = arith.constant 2 : i32
      %dma_start3A_327 = arith.constant 128 : i32
      %dma_start3A_328 = arith.constant 0 : i32
      %dma_start3A_329 = tpu.memref_slice %arg5[%dma_start3A_326, %dma_start3A_327, %dma_start3A_328] : memref<4x256x64xf32, #tpu.memory_space<vmem>> -> memref<1x128x64xf32, #tpu.memory_space<vmem>>
      %dma_start3A_330 = tpu.memref_squeeze %dma_start3A_329 : memref<1x128x64xf32, #tpu.memory_space<vmem>> -> memref<128x64xf32, #tpu.memory_space<vmem>>
      %dma_start3A_331 = arith.constant 0 : i32
      %dma_start3A_332 = arith.constant 0 : i32
      %dma_start3A_333 = tpu.memref_slice %arg3[%dma_start3A_331, %dma_start3A_332] : memref<1000000x64xf32, #tpu.memory_space<hbm>> -> memref<1000000x64xf32, #tpu.memory_space<hbm>>
      tpu.enqueue_indirect_dma source(%dma_start3A_333 : memref<1000000x64xf32, #tpu.memory_space<hbm>>) target(%dma_start3A_330 : memref<128x64xf32, #tpu.memory_space<vmem>>) offsets(%arg11 : memref<128xi32, #tpu.memory_space<vmem>>) semaphore(%arg16 : memref<!tpu.dma_semaphore, #tpu.memory_space<semaphore_mem>>)
      %mul3A_334 = arith.constant 4 : i32
      %mul3A_335 = arith.muli %scan3A_177, %mul3A_334 : i32
      %add3A_336 = arith.constant 3 : i32
      %add3A_337 = arith.addi %mul3A_335, %add3A_336 : i32
      %dma_wait3A_338 = arith.constant 3 : i32
      %dma_wait3A_339 = arith.constant 0 : i32
      %dma_wait3A_340 = arith.constant 0 : i32
      %dma_wait3A_341 = tpu.memref_slice %arg5[%dma_wait3A_338, %dma_wait3A_339, %dma_wait3A_340] : memref<4x256x64xf32, #tpu.memory_space<vmem>> -> memref<1x128x64xf32, #tpu.memory_space<vmem>>
      %dma_wait3A_342 = tpu.memref_squeeze %dma_wait3A_341 : memref<1x128x64xf32, #tpu.memory_space<vmem>> -> memref<128x64xf32, #tpu.memory_space<vmem>>
      %dma_wait3A_343 = arith.constant 0 : i32
      %dma_wait3A_344 = arith.constant 0 : i32
      %dma_wait3A_345 = tpu.memref_slice %arg3[%dma_wait3A_343, %dma_wait3A_344] : memref<1000000x64xf32, #tpu.memory_space<hbm>> -> memref<1000000x64xf32, #tpu.memory_space<hbm>>
      tpu.wait_indirect_dma semaphore(%arg17 : memref<!tpu.dma_semaphore, #tpu.memory_space<semaphore_mem>>) src(%dma_wait3A_345 : memref<1000000x64xf32, #tpu.memory_space<hbm>>) dst(%dma_wait3A_342 : memref<128x64xf32, #tpu.memory_space<vmem>>)
      %dma_wait3A_346 = arith.constant 3 : i32
      %dma_wait3A_347 = arith.constant 128 : i32
      %dma_wait3A_348 = arith.constant 0 : i32
      %dma_wait3A_349 = tpu.memref_slice %arg5[%dma_wait3A_346, %dma_wait3A_347, %dma_wait3A_348] : memref<4x256x64xf32, #tpu.memory_space<vmem>> -> memref<1x128x64xf32, #tpu.memory_space<vmem>>
      %dma_wait3A_350 = tpu.memref_squeeze %dma_wait3A_349 : memref<1x128x64xf32, #tpu.memory_space<vmem>> -> memref<128x64xf32, #tpu.memory_space<vmem>>
      %dma_wait3A_351 = arith.constant 0 : i32
      %dma_wait3A_352 = arith.constant 0 : i32
      %dma_wait3A_353 = tpu.memref_slice %arg3[%dma_wait3A_351, %dma_wait3A_352] : memref<1000000x64xf32, #tpu.memory_space<hbm>> -> memref<1000000x64xf32, #tpu.memory_space<hbm>>
      tpu.wait_indirect_dma semaphore(%arg17 : memref<!tpu.dma_semaphore, #tpu.memory_space<semaphore_mem>>) src(%dma_wait3A_353 : memref<1000000x64xf32, #tpu.memory_space<hbm>>) dst(%dma_wait3A_350 : memref<128x64xf32, #tpu.memory_space<vmem>>)
      %mul3A_354 = arith.constant 256 : i32
      %mul3A_355 = arith.muli %add3A_337, %mul3A_354 : i32
      %add3A_356 = arith.addi %mul3A_2, %mul3A_355 : i32
      %run_scoped3A_357 = arith.constant 3 : i32
      "tpu.region"() ({
        %run_scoped3A_386 = tpu.sem_alloc : memref<!tpu.dma_semaphore, #tpu.memory_space<semaphore_mem>>
        %dma_start3A_387 = arith.constant 0 : i32
        %dma_start3A_388 = arith.constant 0 : i32
        %dma_start3A_389 = tpu.memref_slice %arg5[%run_scoped3A_357, %dma_start3A_387, %dma_start3A_388] : memref<4x256x64xf32, #tpu.memory_space<vmem>> -> memref<1x256x64xf32, #tpu.memory_space<vmem>>
        %dma_start3A_390 = tpu.memref_squeeze %dma_start3A_389 : memref<1x256x64xf32, #tpu.memory_space<vmem>> -> memref<256x64xf32, #tpu.memory_space<vmem>>
        %dma_start3A_391 = arith.constant 0 : i32
        %dma_start3A_392 = tpu.memref_slice %arg4[%add3A_356, %dma_start3A_391] : memref<819200x128xf32, #tpu.memory_space<hbm>> -> memref<256x64xf32, #tpu.memory_space<hbm>>
        %dma_start3A_393 = arith.constant 0 : i32
        %dma_start3A_394 = tpu.memref_slice %arg4[%add3A_356, %dma_start3A_393] : memref<819200x128xf32, #tpu.memory_space<hbm>> -> memref<256x64xf32, #tpu.memory_space<hbm>>
        %dma_start3A_395 = arith.constant 0 : i32
        %dma_start3A_396 = arith.constant 0 : i32
        %dma_start3A_397 = tpu.memref_slice %arg5[%run_scoped3A_357, %dma_start3A_395, %dma_start3A_396] : memref<4x256x64xf32, #tpu.memory_space<vmem>> -> memref<1x256x64xf32, #tpu.memory_space<vmem>>
        %dma_start3A_398 = tpu.memref_squeeze %dma_start3A_397 : memref<1x256x64xf32, #tpu.memory_space<vmem>> -> memref<256x64xf32, #tpu.memory_space<vmem>>
        tpu.enqueue_dma source(%dma_start3A_398 : memref<256x64xf32, #tpu.memory_space<vmem>>) target(%dma_start3A_394 : memref<256x64xf32, #tpu.memory_space<hbm>>) target_semaphore(%run_scoped3A_386 : memref<!tpu.dma_semaphore, #tpu.memory_space<semaphore_mem>>)
        %dma_wait3A_399 = arith.constant 0 : i32
        %dma_wait3A_400 = arith.constant 0 : i32
        %dma_wait3A_401 = tpu.memref_slice %arg5[%run_scoped3A_357, %dma_wait3A_399, %dma_wait3A_400] : memref<4x256x64xf32, #tpu.memory_space<vmem>> -> memref<1x256x64xf32, #tpu.memory_space<vmem>>
        %dma_wait3A_402 = tpu.memref_squeeze %dma_wait3A_401 : memref<1x256x64xf32, #tpu.memory_space<vmem>> -> memref<256x64xf32, #tpu.memory_space<vmem>>
        %dma_wait3A_403 = arith.constant 0 : i32
        %dma_wait3A_404 = tpu.memref_slice %arg4[%add3A_356, %dma_wait3A_403] : memref<819200x128xf32, #tpu.memory_space<hbm>> -> memref<256x64xf32, #tpu.memory_space<hbm>>
        %dma_wait3A_405 = arith.constant 0 : i32
        %dma_wait3A_406 = tpu.memref_slice %arg4[%add3A_356, %dma_wait3A_405] : memref<819200x128xf32, #tpu.memory_space<hbm>> -> memref<256x64xf32, #tpu.memory_space<hbm>>
        %dma_wait3A_407 = arith.constant 0 : i32
        %dma_wait3A_408 = arith.constant 0 : i32
        %dma_wait3A_409 = tpu.memref_slice %arg5[%run_scoped3A_357, %dma_wait3A_407, %dma_wait3A_408] : memref<4x256x64xf32, #tpu.memory_space<vmem>> -> memref<1x256x64xf32, #tpu.memory_space<vmem>>
        %dma_wait3A_410 = tpu.memref_squeeze %dma_wait3A_409 : memref<1x256x64xf32, #tpu.memory_space<vmem>> -> memref<256x64xf32, #tpu.memory_space<vmem>>
        tpu.wait_dma2 semaphore(%run_scoped3A_386 : memref<!tpu.dma_semaphore, #tpu.memory_space<semaphore_mem>>) src(%dma_wait3A_410 : memref<256x64xf32, #tpu.memory_space<vmem>>) dst(%dma_wait3A_406 : memref<256x64xf32, #tpu.memory_space<hbm>>)
        tpu.yield
      }) : () -> ()
      %add3A_358 = arith.constant 4 : i32
      %add3A_359 = arith.addi %add3A_337, %add3A_358 : i32
      %mul3A_360 = arith.constant 256 : i32
      %mul3A_361 = arith.muli %add3A_359, %mul3A_360 : i32
      %add3A_362 = arith.addi %mul3A_2, %mul3A_361 : i32
      %add3A_363 = arith.constant 0 : i32
      %add3A_364 = arith.addi %add3A_362, %add3A_363 : i32
      "tpu.region"() ({
        %run_scoped3A_386 = tpu.sem_alloc : memref<!tpu.dma_semaphore, #tpu.memory_space<semaphore_mem>>
        %dma_start3A_387 = tpu.memref_slice %arg2[%add3A_364] : memref<819200xi32, #tpu.memory_space<hbm>> -> memref<128xi32, #tpu.memory_space<hbm>>
        %dma_start3A_388 = tpu.memref_slice %arg2[%add3A_364] : memref<819200xi32, #tpu.memory_space<hbm>> -> memref<128xi32, #tpu.memory_space<hbm>>
        tpu.enqueue_dma source(%dma_start3A_388 : memref<128xi32, #tpu.memory_space<hbm>>) target(%arg12 : memref<128xi32, #tpu.memory_space<vmem>>) target_semaphore(%run_scoped3A_386 : memref<!tpu.dma_semaphore, #tpu.memory_space<semaphore_mem>>)
        %dma_wait3A_389 = tpu.memref_slice %arg2[%add3A_364] : memref<819200xi32, #tpu.memory_space<hbm>> -> memref<128xi32, #tpu.memory_space<hbm>>
        %dma_wait3A_390 = tpu.memref_slice %arg2[%add3A_364] : memref<819200xi32, #tpu.memory_space<hbm>> -> memref<128xi32, #tpu.memory_space<hbm>>
        tpu.wait_dma2 semaphore(%run_scoped3A_386 : memref<!tpu.dma_semaphore, #tpu.memory_space<semaphore_mem>>) src(%dma_wait3A_390 : memref<128xi32, #tpu.memory_space<hbm>>) dst(%arg12 : memref<128xi32, #tpu.memory_space<vmem>>)
        tpu.yield
      }) : () -> ()
      %dma_start3A_365 = arith.constant 3 : i32
      %dma_start3A_366 = arith.constant 0 : i32
      %dma_start3A_367 = arith.constant 0 : i32
      %dma_start3A_368 = tpu.memref_slice %arg5[%dma_start3A_365, %dma_start3A_366, %dma_start3A_367] : memref<4x256x64xf32, #tpu.memory_space<vmem>> -> memref<1x128x64xf32, #tpu.memory_space<vmem>>
      %dma_start3A_369 = tpu.memref_squeeze %dma_start3A_368 : memref<1x128x64xf32, #tpu.memory_space<vmem>> -> memref<128x64xf32, #tpu.memory_space<vmem>>
      %dma_start3A_370 = arith.constant 0 : i32
      %dma_start3A_371 = arith.constant 0 : i32
      %dma_start3A_372 = tpu.memref_slice %arg3[%dma_start3A_370, %dma_start3A_371] : memref<1000000x64xf32, #tpu.memory_space<hbm>> -> memref<1000000x64xf32, #tpu.memory_space<hbm>>
      tpu.enqueue_indirect_dma source(%dma_start3A_372 : memref<1000000x64xf32, #tpu.memory_space<hbm>>) target(%dma_start3A_369 : memref<128x64xf32, #tpu.memory_space<vmem>>) offsets(%arg12 : memref<128xi32, #tpu.memory_space<vmem>>) semaphore(%arg17 : memref<!tpu.dma_semaphore, #tpu.memory_space<semaphore_mem>>)
      %mul3A_373 = arith.constant 256 : i32
      %mul3A_374 = arith.muli %add3A_359, %mul3A_373 : i32
      %add3A_375 = arith.addi %mul3A_2, %mul3A_374 : i32
      %add3A_376 = arith.constant 128 : i32
      %add3A_377 = arith.addi %add3A_375, %add3A_376 : i32
      "tpu.region"() ({
        %run_scoped3A_386 = tpu.sem_alloc : memref<!tpu.dma_semaphore, #tpu.memory_space<semaphore_mem>>
        %dma_start3A_387 = tpu.memref_slice %arg2[%add3A_377] : memref<819200xi32, #tpu.memory_space<hbm>> -> memref<128xi32, #tpu.memory_space<hbm>>
        %dma_start3A_388 = tpu.memref_slice %arg2[%add3A_377] : memref<819200xi32, #tpu.memory_space<hbm>> -> memref<128xi32, #tpu.memory_space<hbm>>
        tpu.enqueue_dma source(%dma_start3A_388 : memref<128xi32, #tpu.memory_space<hbm>>) target(%arg13 : memref<128xi32, #tpu.memory_space<vmem>>) target_semaphore(%run_scoped3A_386 : memref<!tpu.dma_semaphore, #tpu.memory_space<semaphore_mem>>)
        %dma_wait3A_389 = tpu.memref_slice %arg2[%add3A_377] : memref<819200xi32, #tpu.memory_space<hbm>> -> memref<128xi32, #tpu.memory_space<hbm>>
        %dma_wait3A_390 = tpu.memref_slice %arg2[%add3A_377] : memref<819200xi32, #tpu.memory_space<hbm>> -> memref<128xi32, #tpu.memory_space<hbm>>
        tpu.wait_dma2 semaphore(%run_scoped3A_386 : memref<!tpu.dma_semaphore, #tpu.memory_space<semaphore_mem>>) src(%dma_wait3A_390 : memref<128xi32, #tpu.memory_space<hbm>>) dst(%arg13 : memref<128xi32, #tpu.memory_space<vmem>>)
        tpu.yield
      }) : () -> ()
      %dma_start3A_378 = arith.constant 3 : i32
      %dma_start3A_379 = arith.constant 128 : i32
      %dma_start3A_380 = arith.constant 0 : i32
      %dma_start3A_381 = tpu.memref_slice %arg5[%dma_start3A_378, %dma_start3A_379, %dma_start3A_380] : memref<4x256x64xf32, #tpu.memory_space<vmem>> -> memref<1x128x64xf32, #tpu.memory_space<vmem>>
      %dma_start3A_382 = tpu.memref_squeeze %dma_start3A_381 : memref<1x128x64xf32, #tpu.memory_space<vmem>> -> memref<128x64xf32, #tpu.memory_space<vmem>>
      %dma_start3A_383 = arith.constant 0 : i32
      %dma_start3A_384 = arith.constant 0 : i32
      %dma_start3A_385 = tpu.memref_slice %arg3[%dma_start3A_383, %dma_start3A_384] : memref<1000000x64xf32, #tpu.memory_space<hbm>> -> memref<1000000x64xf32, #tpu.memory_space<hbm>>
      tpu.enqueue_indirect_dma source(%dma_start3A_385 : memref<1000000x64xf32, #tpu.memory_space<hbm>>) target(%dma_start3A_382 : memref<128x64xf32, #tpu.memory_space<vmem>>) offsets(%arg13 : memref<128xi32, #tpu.memory_space<vmem>>) semaphore(%arg17 : memref<!tpu.dma_semaphore, #tpu.memory_space<semaphore_mem>>)
    }
    %scan3A_102 = arith.constant 24 : i32
    %dma_wait3A = arith.constant 0 : i32
    %dma_wait3A_103 = arith.constant 0 : i32
    %dma_wait3A_104 = arith.constant 0 : i32
    %dma_wait3A_105 = tpu.memref_slice %arg5[%dma_wait3A, %dma_wait3A_103, %dma_wait3A_104] : memref<4x256x64xf32, #tpu.memory_space<vmem>> -> memref<1x128x64xf32, #tpu.memory_space<vmem>>
    %dma_wait3A_106 = tpu.memref_squeeze %dma_wait3A_105 : memref<1x128x64xf32, #tpu.memory_space<vmem>> -> memref<128x64xf32, #tpu.memory_space<vmem>>
    %dma_wait3A_107 = arith.constant 0 : i32
    %dma_wait3A_108 = arith.constant 0 : i32
    %dma_wait3A_109 = tpu.memref_slice %arg3[%dma_wait3A_107, %dma_wait3A_108] : memref<1000000x64xf32, #tpu.memory_space<hbm>> -> memref<1000000x64xf32, #tpu.memory_space<hbm>>
    tpu.wait_indirect_dma semaphore(%arg14 : memref<!tpu.dma_semaphore, #tpu.memory_space<semaphore_mem>>) src(%dma_wait3A_109 : memref<1000000x64xf32, #tpu.memory_space<hbm>>) dst(%dma_wait3A_106 : memref<128x64xf32, #tpu.memory_space<vmem>>)
    %dma_wait3A_110 = arith.constant 0 : i32
    %dma_wait3A_111 = arith.constant 128 : i32
    %dma_wait3A_112 = arith.constant 0 : i32
    %dma_wait3A_113 = tpu.memref_slice %arg5[%dma_wait3A_110, %dma_wait3A_111, %dma_wait3A_112] : memref<4x256x64xf32, #tpu.memory_space<vmem>> -> memref<1x128x64xf32, #tpu.memory_space<vmem>>
    %dma_wait3A_114 = tpu.memref_squeeze %dma_wait3A_113 : memref<1x128x64xf32, #tpu.memory_space<vmem>> -> memref<128x64xf32, #tpu.memory_space<vmem>>
    %dma_wait3A_115 = arith.constant 0 : i32
    %dma_wait3A_116 = arith.constant 0 : i32
    %dma_wait3A_117 = tpu.memref_slice %arg3[%dma_wait3A_115, %dma_wait3A_116] : memref<1000000x64xf32, #tpu.memory_space<hbm>> -> memref<1000000x64xf32, #tpu.memory_space<hbm>>
    tpu.wait_indirect_dma semaphore(%arg14 : memref<!tpu.dma_semaphore, #tpu.memory_space<semaphore_mem>>) src(%dma_wait3A_117 : memref<1000000x64xf32, #tpu.memory_space<hbm>>) dst(%dma_wait3A_114 : memref<128x64xf32, #tpu.memory_space<vmem>>)
    %add3A_118 = arith.constant 24576 : i32
    %add3A_119 = arith.addi %mul3A_2, %add3A_118 : i32
    %run_scoped3A = arith.constant 0 : i32
    "tpu.region"() ({
      %run_scoped3A_177 = tpu.sem_alloc : memref<!tpu.dma_semaphore, #tpu.memory_space<semaphore_mem>>
      %dma_start3A_178 = arith.constant 0 : i32
      %dma_start3A_179 = arith.constant 0 : i32
      %dma_start3A_180 = tpu.memref_slice %arg5[%run_scoped3A, %dma_start3A_178, %dma_start3A_179] : memref<4x256x64xf32, #tpu.memory_space<vmem>> -> memref<1x256x64xf32, #tpu.memory_space<vmem>>
      %dma_start3A_181 = tpu.memref_squeeze %dma_start3A_180 : memref<1x256x64xf32, #tpu.memory_space<vmem>> -> memref<256x64xf32, #tpu.memory_space<vmem>>
      %dma_start3A_182 = arith.constant 0 : i32
      %dma_start3A_183 = tpu.memref_slice %arg4[%add3A_119, %dma_start3A_182] : memref<819200x128xf32, #tpu.memory_space<hbm>> -> memref<256x64xf32, #tpu.memory_space<hbm>>
      %dma_start3A_184 = arith.constant 0 : i32
      %dma_start3A_185 = tpu.memref_slice %arg4[%add3A_119, %dma_start3A_184] : memref<819200x128xf32, #tpu.memory_space<hbm>> -> memref<256x64xf32, #tpu.memory_space<hbm>>
      %dma_start3A_186 = arith.constant 0 : i32
      %dma_start3A_187 = arith.constant 0 : i32
      %dma_start3A_188 = tpu.memref_slice %arg5[%run_scoped3A, %dma_start3A_186, %dma_start3A_187] : memref<4x256x64xf32, #tpu.memory_space<vmem>> -> memref<1x256x64xf32, #tpu.memory_space<vmem>>
      %dma_start3A_189 = tpu.memref_squeeze %dma_start3A_188 : memref<1x256x64xf32, #tpu.memory_space<vmem>> -> memref<256x64xf32, #tpu.memory_space<vmem>>
      tpu.enqueue_dma source(%dma_start3A_189 : memref<256x64xf32, #tpu.memory_space<vmem>>) target(%dma_start3A_185 : memref<256x64xf32, #tpu.memory_space<hbm>>) target_semaphore(%run_scoped3A_177 : memref<!tpu.dma_semaphore, #tpu.memory_space<semaphore_mem>>)
      %dma_wait3A_190 = arith.constant 0 : i32
      %dma_wait3A_191 = arith.constant 0 : i32
      %dma_wait3A_192 = tpu.memref_slice %arg5[%run_scoped3A, %dma_wait3A_190, %dma_wait3A_191] : memref<4x256x64xf32, #tpu.memory_space<vmem>> -> memref<1x256x64xf32, #tpu.memory_space<vmem>>
      %dma_wait3A_193 = tpu.memref_squeeze %dma_wait3A_192 : memref<1x256x64xf32, #tpu.memory_space<vmem>> -> memref<256x64xf32, #tpu.memory_space<vmem>>
      %dma_wait3A_194 = arith.constant 0 : i32
      %dma_wait3A_195 = tpu.memref_slice %arg4[%add3A_119, %dma_wait3A_194] : memref<819200x128xf32, #tpu.memory_space<hbm>> -> memref<256x64xf32, #tpu.memory_space<hbm>>
      %dma_wait3A_196 = arith.constant 0 : i32
      %dma_wait3A_197 = tpu.memref_slice %arg4[%add3A_119, %dma_wait3A_196] : memref<819200x128xf32, #tpu.memory_space<hbm>> -> memref<256x64xf32, #tpu.memory_space<hbm>>
      %dma_wait3A_198 = arith.constant 0 : i32
      %dma_wait3A_199 = arith.constant 0 : i32
      %dma_wait3A_200 = tpu.memref_slice %arg5[%run_scoped3A, %dma_wait3A_198, %dma_wait3A_199] : memref<4x256x64xf32, #tpu.memory_space<vmem>> -> memref<1x256x64xf32, #tpu.memory_space<vmem>>
      %dma_wait3A_201 = tpu.memref_squeeze %dma_wait3A_200 : memref<1x256x64xf32, #tpu.memory_space<vmem>> -> memref<256x64xf32, #tpu.memory_space<vmem>>
      tpu.wait_dma2 semaphore(%run_scoped3A_177 : memref<!tpu.dma_semaphore, #tpu.memory_space<semaphore_mem>>) src(%dma_wait3A_201 : memref<256x64xf32, #tpu.memory_space<vmem>>) dst(%dma_wait3A_197 : memref<256x64xf32, #tpu.memory_space<hbm>>)
      tpu.yield
    }) : () -> ()
    %dma_wait3A_120 = arith.constant 1 : i32
    %dma_wait3A_121 = arith.constant 0 : i32
    %dma_wait3A_122 = arith.constant 0 : i32
    %dma_wait3A_123 = tpu.memref_slice %arg5[%dma_wait3A_120, %dma_wait3A_121, %dma_wait3A_122] : memref<4x256x64xf32, #tpu.memory_space<vmem>> -> memref<1x128x64xf32, #tpu.memory_space<vmem>>
    %dma_wait3A_124 = tpu.memref_squeeze %dma_wait3A_123 : memref<1x128x64xf32, #tpu.memory_space<vmem>> -> memref<128x64xf32, #tpu.memory_space<vmem>>
    %dma_wait3A_125 = arith.constant 0 : i32
    %dma_wait3A_126 = arith.constant 0 : i32
    %dma_wait3A_127 = tpu.memref_slice %arg3[%dma_wait3A_125, %dma_wait3A_126] : memref<1000000x64xf32, #tpu.memory_space<hbm>> -> memref<1000000x64xf32, #tpu.memory_space<hbm>>
    tpu.wait_indirect_dma semaphore(%arg15 : memref<!tpu.dma_semaphore, #tpu.memory_space<semaphore_mem>>) src(%dma_wait3A_127 : memref<1000000x64xf32, #tpu.memory_space<hbm>>) dst(%dma_wait3A_124 : memref<128x64xf32, #tpu.memory_space<vmem>>)
    %dma_wait3A_128 = arith.constant 1 : i32
    %dma_wait3A_129 = arith.constant 128 : i32
    %dma_wait3A_130 = arith.constant 0 : i32
    %dma_wait3A_131 = tpu.memref_slice %arg5[%dma_wait3A_128, %dma_wait3A_129, %dma_wait3A_130] : memref<4x256x64xf32, #tpu.memory_space<vmem>> -> memref<1x128x64xf32, #tpu.memory_space<vmem>>
    %dma_wait3A_132 = tpu.memref_squeeze %dma_wait3A_131 : memref<1x128x64xf32, #tpu.memory_space<vmem>> -> memref<128x64xf32, #tpu.memory_space<vmem>>
    %dma_wait3A_133 = arith.constant 0 : i32
    %dma_wait3A_134 = arith.constant 0 : i32
    %dma_wait3A_135 = tpu.memref_slice %arg3[%dma_wait3A_133, %dma_wait3A_134] : memref<1000000x64xf32, #tpu.memory_space<hbm>> -> memref<1000000x64xf32, #tpu.memory_space<hbm>>
    tpu.wait_indirect_dma semaphore(%arg15 : memref<!tpu.dma_semaphore, #tpu.memory_space<semaphore_mem>>) src(%dma_wait3A_135 : memref<1000000x64xf32, #tpu.memory_space<hbm>>) dst(%dma_wait3A_132 : memref<128x64xf32, #tpu.memory_space<vmem>>)
    %add3A_136 = arith.constant 24832 : i32
    %add3A_137 = arith.addi %mul3A_2, %add3A_136 : i32
    %run_scoped3A_138 = arith.constant 1 : i32
    "tpu.region"() ({
      %run_scoped3A_177 = tpu.sem_alloc : memref<!tpu.dma_semaphore, #tpu.memory_space<semaphore_mem>>
      %dma_start3A_178 = arith.constant 0 : i32
      %dma_start3A_179 = arith.constant 0 : i32
      %dma_start3A_180 = tpu.memref_slice %arg5[%run_scoped3A_138, %dma_start3A_178, %dma_start3A_179] : memref<4x256x64xf32, #tpu.memory_space<vmem>> -> memref<1x256x64xf32, #tpu.memory_space<vmem>>
      %dma_start3A_181 = tpu.memref_squeeze %dma_start3A_180 : memref<1x256x64xf32, #tpu.memory_space<vmem>> -> memref<256x64xf32, #tpu.memory_space<vmem>>
      %dma_start3A_182 = arith.constant 0 : i32
      %dma_start3A_183 = tpu.memref_slice %arg4[%add3A_137, %dma_start3A_182] : memref<819200x128xf32, #tpu.memory_space<hbm>> -> memref<256x64xf32, #tpu.memory_space<hbm>>
      %dma_start3A_184 = arith.constant 0 : i32
      %dma_start3A_185 = tpu.memref_slice %arg4[%add3A_137, %dma_start3A_184] : memref<819200x128xf32, #tpu.memory_space<hbm>> -> memref<256x64xf32, #tpu.memory_space<hbm>>
      %dma_start3A_186 = arith.constant 0 : i32
      %dma_start3A_187 = arith.constant 0 : i32
      %dma_start3A_188 = tpu.memref_slice %arg5[%run_scoped3A_138, %dma_start3A_186, %dma_start3A_187] : memref<4x256x64xf32, #tpu.memory_space<vmem>> -> memref<1x256x64xf32, #tpu.memory_space<vmem>>
      %dma_start3A_189 = tpu.memref_squeeze %dma_start3A_188 : memref<1x256x64xf32, #tpu.memory_space<vmem>> -> memref<256x64xf32, #tpu.memory_space<vmem>>
      tpu.enqueue_dma source(%dma_start3A_189 : memref<256x64xf32, #tpu.memory_space<vmem>>) target(%dma_start3A_185 : memref<256x64xf32, #tpu.memory_space<hbm>>) target_semaphore(%run_scoped3A_177 : memref<!tpu.dma_semaphore, #tpu.memory_space<semaphore_mem>>)
      %dma_wait3A_190 = arith.constant 0 : i32
      %dma_wait3A_191 = arith.constant 0 : i32
      %dma_wait3A_192 = tpu.memref_slice %arg5[%run_scoped3A_138, %dma_wait3A_190, %dma_wait3A_191] : memref<4x256x64xf32, #tpu.memory_space<vmem>> -> memref<1x256x64xf32, #tpu.memory_space<vmem>>
      %dma_wait3A_193 = tpu.memref_squeeze %dma_wait3A_192 : memref<1x256x64xf32, #tpu.memory_space<vmem>> -> memref<256x64xf32, #tpu.memory_space<vmem>>
      %dma_wait3A_194 = arith.constant 0 : i32
      %dma_wait3A_195 = tpu.memref_slice %arg4[%add3A_137, %dma_wait3A_194] : memref<819200x128xf32, #tpu.memory_space<hbm>> -> memref<256x64xf32, #tpu.memory_space<hbm>>
      %dma_wait3A_196 = arith.constant 0 : i32
      %dma_wait3A_197 = tpu.memref_slice %arg4[%add3A_137, %dma_wait3A_196] : memref<819200x128xf32, #tpu.memory_space<hbm>> -> memref<256x64xf32, #tpu.memory_space<hbm>>
      %dma_wait3A_198 = arith.constant 0 : i32
      %dma_wait3A_199 = arith.constant 0 : i32
      %dma_wait3A_200 = tpu.memref_slice %arg5[%run_scoped3A_138, %dma_wait3A_198, %dma_wait3A_199] : memref<4x256x64xf32, #tpu.memory_space<vmem>> -> memref<1x256x64xf32, #tpu.memory_space<vmem>>
      %dma_wait3A_201 = tpu.memref_squeeze %dma_wait3A_200 : memref<1x256x64xf32, #tpu.memory_space<vmem>> -> memref<256x64xf32, #tpu.memory_space<vmem>>
      tpu.wait_dma2 semaphore(%run_scoped3A_177 : memref<!tpu.dma_semaphore, #tpu.memory_space<semaphore_mem>>) src(%dma_wait3A_201 : memref<256x64xf32, #tpu.memory_space<vmem>>) dst(%dma_wait3A_197 : memref<256x64xf32, #tpu.memory_space<hbm>>)
      tpu.yield
    }) : () -> ()
    %dma_wait3A_139 = arith.constant 2 : i32
    %dma_wait3A_140 = arith.constant 0 : i32
    %dma_wait3A_141 = arith.constant 0 : i32
    %dma_wait3A_142 = tpu.memref_slice %arg5[%dma_wait3A_139, %dma_wait3A_140, %dma_wait3A_141] : memref<4x256x64xf32, #tpu.memory_space<vmem>> -> memref<1x128x64xf32, #tpu.memory_space<vmem>>
    %dma_wait3A_143 = tpu.memref_squeeze %dma_wait3A_142 : memref<1x128x64xf32, #tpu.memory_space<vmem>> -> memref<128x64xf32, #tpu.memory_space<vmem>>
    %dma_wait3A_144 = arith.constant 0 : i32
    %dma_wait3A_145 = arith.constant 0 : i32
    %dma_wait3A_146 = tpu.memref_slice %arg3[%dma_wait3A_144, %dma_wait3A_145] : memref<1000000x64xf32, #tpu.memory_space<hbm>> -> memref<1000000x64xf32, #tpu.memory_space<hbm>>
    tpu.wait_indirect_dma semaphore(%arg16 : memref<!tpu.dma_semaphore, #tpu.memory_space<semaphore_mem>>) src(%dma_wait3A_146 : memref<1000000x64xf32, #tpu.memory_space<hbm>>) dst(%dma_wait3A_143 : memref<128x64xf32, #tpu.memory_space<vmem>>)
    %dma_wait3A_147 = arith.constant 2 : i32
    %dma_wait3A_148 = arith.constant 128 : i32
    %dma_wait3A_149 = arith.constant 0 : i32
    %dma_wait3A_150 = tpu.memref_slice %arg5[%dma_wait3A_147, %dma_wait3A_148, %dma_wait3A_149] : memref<4x256x64xf32, #tpu.memory_space<vmem>> -> memref<1x128x64xf32, #tpu.memory_space<vmem>>
    %dma_wait3A_151 = tpu.memref_squeeze %dma_wait3A_150 : memref<1x128x64xf32, #tpu.memory_space<vmem>> -> memref<128x64xf32, #tpu.memory_space<vmem>>
    %dma_wait3A_152 = arith.constant 0 : i32
    %dma_wait3A_153 = arith.constant 0 : i32
    %dma_wait3A_154 = tpu.memref_slice %arg3[%dma_wait3A_152, %dma_wait3A_153] : memref<1000000x64xf32, #tpu.memory_space<hbm>> -> memref<1000000x64xf32, #tpu.memory_space<hbm>>
    tpu.wait_indirect_dma semaphore(%arg16 : memref<!tpu.dma_semaphore, #tpu.memory_space<semaphore_mem>>) src(%dma_wait3A_154 : memref<1000000x64xf32, #tpu.memory_space<hbm>>) dst(%dma_wait3A_151 : memref<128x64xf32, #tpu.memory_space<vmem>>)
    %add3A_155 = arith.constant 25088 : i32
    %add3A_156 = arith.addi %mul3A_2, %add3A_155 : i32
    %run_scoped3A_157 = arith.constant 2 : i32
    "tpu.region"() ({
      %run_scoped3A_177 = tpu.sem_alloc : memref<!tpu.dma_semaphore, #tpu.memory_space<semaphore_mem>>
      %dma_start3A_178 = arith.constant 0 : i32
      %dma_start3A_179 = arith.constant 0 : i32
      %dma_start3A_180 = tpu.memref_slice %arg5[%run_scoped3A_157, %dma_start3A_178, %dma_start3A_179] : memref<4x256x64xf32, #tpu.memory_space<vmem>> -> memref<1x256x64xf32, #tpu.memory_space<vmem>>
      %dma_start3A_181 = tpu.memref_squeeze %dma_start3A_180 : memref<1x256x64xf32, #tpu.memory_space<vmem>> -> memref<256x64xf32, #tpu.memory_space<vmem>>
      %dma_start3A_182 = arith.constant 0 : i32
      %dma_start3A_183 = tpu.memref_slice %arg4[%add3A_156, %dma_start3A_182] : memref<819200x128xf32, #tpu.memory_space<hbm>> -> memref<256x64xf32, #tpu.memory_space<hbm>>
      %dma_start3A_184 = arith.constant 0 : i32
      %dma_start3A_185 = tpu.memref_slice %arg4[%add3A_156, %dma_start3A_184] : memref<819200x128xf32, #tpu.memory_space<hbm>> -> memref<256x64xf32, #tpu.memory_space<hbm>>
      %dma_start3A_186 = arith.constant 0 : i32
      %dma_start3A_187 = arith.constant 0 : i32
      %dma_start3A_188 = tpu.memref_slice %arg5[%run_scoped3A_157, %dma_start3A_186, %dma_start3A_187] : memref<4x256x64xf32, #tpu.memory_space<vmem>> -> memref<1x256x64xf32, #tpu.memory_space<vmem>>
      %dma_start3A_189 = tpu.memref_squeeze %dma_start3A_188 : memref<1x256x64xf32, #tpu.memory_space<vmem>> -> memref<256x64xf32, #tpu.memory_space<vmem>>
      tpu.enqueue_dma source(%dma_start3A_189 : memref<256x64xf32, #tpu.memory_space<vmem>>) target(%dma_start3A_185 : memref<256x64xf32, #tpu.memory_space<hbm>>) target_semaphore(%run_scoped3A_177 : memref<!tpu.dma_semaphore, #tpu.memory_space<semaphore_mem>>)
      %dma_wait3A_190 = arith.constant 0 : i32
      %dma_wait3A_191 = arith.constant 0 : i32
      %dma_wait3A_192 = tpu.memref_slice %arg5[%run_scoped3A_157, %dma_wait3A_190, %dma_wait3A_191] : memref<4x256x64xf32, #tpu.memory_space<vmem>> -> memref<1x256x64xf32, #tpu.memory_space<vmem>>
      %dma_wait3A_193 = tpu.memref_squeeze %dma_wait3A_192 : memref<1x256x64xf32, #tpu.memory_space<vmem>> -> memref<256x64xf32, #tpu.memory_space<vmem>>
      %dma_wait3A_194 = arith.constant 0 : i32
      %dma_wait3A_195 = tpu.memref_slice %arg4[%add3A_156, %dma_wait3A_194] : memref<819200x128xf32, #tpu.memory_space<hbm>> -> memref<256x64xf32, #tpu.memory_space<hbm>>
      %dma_wait3A_196 = arith.constant 0 : i32
      %dma_wait3A_197 = tpu.memref_slice %arg4[%add3A_156, %dma_wait3A_196] : memref<819200x128xf32, #tpu.memory_space<hbm>> -> memref<256x64xf32, #tpu.memory_space<hbm>>
      %dma_wait3A_198 = arith.constant 0 : i32
      %dma_wait3A_199 = arith.constant 0 : i32
      %dma_wait3A_200 = tpu.memref_slice %arg5[%run_scoped3A_157, %dma_wait3A_198, %dma_wait3A_199] : memref<4x256x64xf32, #tpu.memory_space<vmem>> -> memref<1x256x64xf32, #tpu.memory_space<vmem>>
      %dma_wait3A_201 = tpu.memref_squeeze %dma_wait3A_200 : memref<1x256x64xf32, #tpu.memory_space<vmem>> -> memref<256x64xf32, #tpu.memory_space<vmem>>
      tpu.wait_dma2 semaphore(%run_scoped3A_177 : memref<!tpu.dma_semaphore, #tpu.memory_space<semaphore_mem>>) src(%dma_wait3A_201 : memref<256x64xf32, #tpu.memory_space<vmem>>) dst(%dma_wait3A_197 : memref<256x64xf32, #tpu.memory_space<hbm>>)
      tpu.yield
    }) : () -> ()
    %dma_wait3A_158 = arith.constant 3 : i32
    %dma_wait3A_159 = arith.constant 0 : i32
    %dma_wait3A_160 = arith.constant 0 : i32
    %dma_wait3A_161 = tpu.memref_slice %arg5[%dma_wait3A_158, %dma_wait3A_159, %dma_wait3A_160] : memref<4x256x64xf32, #tpu.memory_space<vmem>> -> memref<1x128x64xf32, #tpu.memory_space<vmem>>
    %dma_wait3A_162 = tpu.memref_squeeze %dma_wait3A_161 : memref<1x128x64xf32, #tpu.memory_space<vmem>> -> memref<128x64xf32, #tpu.memory_space<vmem>>
    %dma_wait3A_163 = arith.constant 0 : i32
    %dma_wait3A_164 = arith.constant 0 : i32
    %dma_wait3A_165 = tpu.memref_slice %arg3[%dma_wait3A_163, %dma_wait3A_164] : memref<1000000x64xf32, #tpu.memory_space<hbm>> -> memref<1000000x64xf32, #tpu.memory_space<hbm>>
    tpu.wait_indirect_dma semaphore(%arg17 : memref<!tpu.dma_semaphore, #tpu.memory_space<semaphore_mem>>) src(%dma_wait3A_165 : memref<1000000x64xf32, #tpu.memory_space<hbm>>) dst(%dma_wait3A_162 : memref<128x64xf32, #tpu.memory_space<vmem>>)
    %dma_wait3A_166 = arith.constant 3 : i32
    %dma_wait3A_167 = arith.constant 128 : i32
    %dma_wait3A_168 = arith.constant 0 : i32
    %dma_wait3A_169 = tpu.memref_slice %arg5[%dma_wait3A_166, %dma_wait3A_167, %dma_wait3A_168] : memref<4x256x64xf32, #tpu.memory_space<vmem>> -> memref<1x128x64xf32, #tpu.memory_space<vmem>>
    %dma_wait3A_170 = tpu.memref_squeeze %dma_wait3A_169 : memref<1x128x64xf32, #tpu.memory_space<vmem>> -> memref<128x64xf32, #tpu.memory_space<vmem>>
    %dma_wait3A_171 = arith.constant 0 : i32
    %dma_wait3A_172 = arith.constant 0 : i32
    %dma_wait3A_173 = tpu.memref_slice %arg3[%dma_wait3A_171, %dma_wait3A_172] : memref<1000000x64xf32, #tpu.memory_space<hbm>> -> memref<1000000x64xf32, #tpu.memory_space<hbm>>
    tpu.wait_indirect_dma semaphore(%arg17 : memref<!tpu.dma_semaphore, #tpu.memory_space<semaphore_mem>>) src(%dma_wait3A_173 : memref<1000000x64xf32, #tpu.memory_space<hbm>>) dst(%dma_wait3A_170 : memref<128x64xf32, #tpu.memory_space<vmem>>)
    %add3A_174 = arith.constant 25344 : i32
    %add3A_175 = arith.addi %mul3A_2, %add3A_174 : i32
    %run_scoped3A_176 = arith.constant 3 : i32
    "tpu.region"() ({
      %run_scoped3A_177 = tpu.sem_alloc : memref<!tpu.dma_semaphore, #tpu.memory_space<semaphore_mem>>
      %dma_start3A_178 = arith.constant 0 : i32
      %dma_start3A_179 = arith.constant 0 : i32
      %dma_start3A_180 = tpu.memref_slice %arg5[%run_scoped3A_176, %dma_start3A_178, %dma_start3A_179] : memref<4x256x64xf32, #tpu.memory_space<vmem>> -> memref<1x256x64xf32, #tpu.memory_space<vmem>>
      %dma_start3A_181 = tpu.memref_squeeze %dma_start3A_180 : memref<1x256x64xf32, #tpu.memory_space<vmem>> -> memref<256x64xf32, #tpu.memory_space<vmem>>
      %dma_start3A_182 = arith.constant 0 : i32
      %dma_start3A_183 = tpu.memref_slice %arg4[%add3A_175, %dma_start3A_182] : memref<819200x128xf32, #tpu.memory_space<hbm>> -> memref<256x64xf32, #tpu.memory_space<hbm>>
      %dma_start3A_184 = arith.constant 0 : i32
      %dma_start3A_185 = tpu.memref_slice %arg4[%add3A_175, %dma_start3A_184] : memref<819200x128xf32, #tpu.memory_space<hbm>> -> memref<256x64xf32, #tpu.memory_space<hbm>>
      %dma_start3A_186 = arith.constant 0 : i32
      %dma_start3A_187 = arith.constant 0 : i32
      %dma_start3A_188 = tpu.memref_slice %arg5[%run_scoped3A_176, %dma_start3A_186, %dma_start3A_187] : memref<4x256x64xf32, #tpu.memory_space<vmem>> -> memref<1x256x64xf32, #tpu.memory_space<vmem>>
      %dma_start3A_189 = tpu.memref_squeeze %dma_start3A_188 : memref<1x256x64xf32, #tpu.memory_space<vmem>> -> memref<256x64xf32, #tpu.memory_space<vmem>>
      tpu.enqueue_dma source(%dma_start3A_189 : memref<256x64xf32, #tpu.memory_space<vmem>>) target(%dma_start3A_185 : memref<256x64xf32, #tpu.memory_space<hbm>>) target_semaphore(%run_scoped3A_177 : memref<!tpu.dma_semaphore, #tpu.memory_space<semaphore_mem>>)
      %dma_wait3A_190 = arith.constant 0 : i32
      %dma_wait3A_191 = arith.constant 0 : i32
      %dma_wait3A_192 = tpu.memref_slice %arg5[%run_scoped3A_176, %dma_wait3A_190, %dma_wait3A_191] : memref<4x256x64xf32, #tpu.memory_space<vmem>> -> memref<1x256x64xf32, #tpu.memory_space<vmem>>
      %dma_wait3A_193 = tpu.memref_squeeze %dma_wait3A_192 : memref<1x256x64xf32, #tpu.memory_space<vmem>> -> memref<256x64xf32, #tpu.memory_space<vmem>>
      %dma_wait3A_194 = arith.constant 0 : i32
      %dma_wait3A_195 = tpu.memref_slice %arg4[%add3A_175, %dma_wait3A_194] : memref<819200x128xf32, #tpu.memory_space<hbm>> -> memref<256x64xf32, #tpu.memory_space<hbm>>
      %dma_wait3A_196 = arith.constant 0 : i32
      %dma_wait3A_197 = tpu.memref_slice %arg4[%add3A_175, %dma_wait3A_196] : memref<819200x128xf32, #tpu.memory_space<hbm>> -> memref<256x64xf32, #tpu.memory_space<hbm>>
      %dma_wait3A_198 = arith.constant 0 : i32
      %dma_wait3A_199 = arith.constant 0 : i32
      %dma_wait3A_200 = tpu.memref_slice %arg5[%run_scoped3A_176, %dma_wait3A_198, %dma_wait3A_199] : memref<4x256x64xf32, #tpu.memory_space<vmem>> -> memref<1x256x64xf32, #tpu.memory_space<vmem>>
      %dma_wait3A_201 = tpu.memref_squeeze %dma_wait3A_200 : memref<1x256x64xf32, #tpu.memory_space<vmem>> -> memref<256x64xf32, #tpu.memory_space<vmem>>
      tpu.wait_dma2 semaphore(%run_scoped3A_177 : memref<!tpu.dma_semaphore, #tpu.memory_space<semaphore_mem>>) src(%dma_wait3A_201 : memref<256x64xf32, #tpu.memory_space<vmem>>) dst(%dma_wait3A_197 : memref<256x64xf32, #tpu.memory_space<hbm>>)
      tpu.yield
    }) : () -> ()
    return
  }
}

</mosaic_0001>

<sc_bundles>
// kernel: kernel.3.cloned.1.call-start
scs
__scs_entry_jumppad:
0x0: {  	(pc) =	sbr.rel $0x88, $3  }
0x1: {  	(tag) =	ssettag $0x0;
	lr =	simm.s32 $0x1  }
0x2: {  	[smem:$0x3F9F] =	sst lr;
	_ =	strace $0xD0000000  }
0x3: {  	_ = 	snop  }
0x4: {  	_ = 	snop  }
0x5: {  	_ = 	snop  }
0x6: {  	_ = 	snop  }
0x7: {  	_ = 	snop  }
__scs_overlays_trampoline_lowered:
0x8: {  	[smem:$0x3FAE] =	sst s0  }
0x9: {  	[smem:$0x3FAF] =	sst s1  }
0xa: {  	[smem:$0x3FB0] =	sst s2  }
0xb: {  	[smem:$0x3FB1] =	sst s3  }
0xc: {  	[smem:$0x3FB2] =	sst s4  }
0xd: {  	[smem:$0x3FB3] =	sst s5  }
0xe: {  	[smem:$0x3FB4] =	sst s6  }
0xf: {  	[smem:$0x3FB5] =	sst s7  }
0x10: {  	[smem:$0x3FB6] =	sst s8  }
0x11: {  	[smem:$0x3FB7] =	sst s9;
	s0 =	simm.s32 @!p0 $0x0  }
0x12: {  	s1 =	sld [smem:$0x3F9D];
	s0 =	simm.s32 @p0 $0x1  }
0x13: {  	[smem:$0x3FB8] =	sst s0;
	s0 =	simm.s32 @!p1 $0x0  }
0x14: {  	s2 =	sld [smem:$0x3F9C];
	s0 =	simm.s32 @p1 $0x1  }
0x15: {  	[smem:$0x3FB9] =	sst s0;
	s0 =	simm.s32 @!p2 $0x0  }
0x16: {  	s3 =	sld [smem:$0x3FDB];
	s0 =	simm.s32 @p2 $0x1  }
0x17: {  	s4 =	simm.s32 $0x1BF5;
	[smem:$0x3FBB] =	sst s0  }
0x18: {  	s0 =	sld [smem:$0x3F9E];
	_ =	swait.ge [sflag:s4], $0x0  }
0x19: {  	s7 =	sld [smem:$0x3F9F]  }
0x1a: {  	s8 =	sadd.s32 $0xFFFFE003, lr  }
0x1b: {  	s9 =	sadd.s32 $0xFFFFFEF7, lr;
	s5 =	simm.s32 $0xFFFFFFFF;
	p2 =	slt.u32 s8, $0xFFFFF086  }
0x1c: {  	p1 =	slt.u32 s9, $0xF7A;
	s5 =	simm.s32 @!p2 $0x0  }
0x1d: {  	s5 =	simm.s32 @p1 $0x1;
	p0 =	seq.s32 s7, s2  }
0x1e: {  	s7 =	smul.u32 @!p0 $0xF7A, s2;
	p2 =	seq.s32 @!p0 s5, $0x0  }
0x1f: {  	s9 =	smul.u32 $0xF7A, s1;
	s8 =	simm.s32 @!p0 $0x1BF5;
	p2 =	por !p2, p0  }
0x20: {  	[sflag:s8] =	ssyncset.s32 @!p0 $0xFFFFF086;
	s6 =	sadd.s32 @!p0 s3, s7;
	s7 =	simm.s32 @!p0 $0x108  }
0x21: {  	s3 =	sadd.s32 s3, s9;
	s6 =	sadd.s32 @!p0 $0x88, s6;
	s7 =	simm.s32 @p2 $0x1082  }
0x22: {  	[simem:s7], [sflag:s8] =	dma.local @!p0 [hbm:s6], $0xF7A  }
0x23: {  	s9 =	sor.u32 $0xD0000000, s2;
	s6 =	simm.s32 $0x108;
	_ =	swait.ge @!p0 [sflag:s8], $0x0  }
0x24: {  	s3 =	sadd.s32 $0x88, s3;
	s6 =	simm.s32 @!p1 $0x1082;
	[sflag:s4] =	ssyncset.s32 $0xFFFFF086  }
0x25: {  	[simem:s6], [sflag:s4] =	dma.local [hbm:s3], $0xF7A  }
0x26: {  	[smem:$0x3F9F] =	sst s1;
	(tag) =	ssettag s2;
	_ =	strace s9  }
0x27: {  	s1 =	sld [smem:$0x3FAF]  }
0x28: {  	s2 =	sld [smem:$0x3FB0]  }
0x29: {  	s4 =	sld [smem:$0x3FB2]  }
0x2a: {  	p0 =	seq.s32 s5, $0x0;
	s5 =	sld [smem:$0x3FB3]  }
0x2b: {  	s6 =	sld [smem:$0x3FB4]  }
0x2c: {  	s7 =	sld [smem:$0x3FB5]  }
0x2d: {  	s3 =	simm.s32 $0x108;
	s8 =	sld [smem:$0x3FB6]  }
0x2e: {  	s3 =	simm.s32 @!p0 $0x1082;
	s9 =	sld [smem:$0x3FB7]  }
0x2f: {  	lr =	sadd.s32 s0, s3;
	s0 =	sld [smem:$0x3FAE]  }
0x30: {  	s3 =	sld [smem:$0x3FB1]  }
0x31: {  	[smem:$0x3FBA] =	sst s10  }
0x32: {  	s10 =	sld [smem:$0x3FB8];
	_ =	sdelay $0x3  }
0x33: {  	p0 =	seq.s32 s10, $0x1;
	s10 =	sld [smem:$0x3FBA];
	_ =	sdelay $0x3  }
0x34: {  	[smem:$0x3FBA] =	sst s10  }
0x35: {  	s10 =	sld [smem:$0x3FB9];
	_ =	sdelay $0x3  }
0x36: {  	p1 =	seq.s32 s10, $0x1;
	s10 =	sld [smem:$0x3FBA];
	_ =	sdelay $0x3  }
0x37: {  	[smem:$0x3FBA] =	sst s10  }
0x38: {  	s10 =	sld [smem:$0x3FBB]  }
0x39: {  	_ = 	snop;
	(pc) =	sbr.ind lr, $3  }
0x3a: {  	_ = 	snop  }
0x3b: {  	_ = 	snop  }
0x3c: {  	p2 =	seq.s32 s10, $0x1;
	s10 =	sld [smem:$0x3FBA]  }
0x3d: {  	_ =	shalt  }
0x3e: {  	_ =	shalt  }
0x3f: {  	_ =	shalt  }
0x40: {  	_ =	shalt  }
0x41: {  	_ =	shalt  }
0x42: {  	_ =	shalt  }
0x43: {  	_ =	shalt  }
0x44: {  	_ =	shalt  }
0x45: {  	_ =	shalt  }
0x46: {  	_ =	shalt  }
0x47: {  	_ =	shalt  }
0x48: {  	_ =	shalt  }
0x49: {  	_ =	shalt  }
0x4a: {  	_ =	shalt  }
0x4b: {  	_ =	shalt  }
0x4c: {  	_ =	shalt  }
0x4d: {  	_ =	shalt  }
0x4e: {  	_ =	shalt  }
0x4f: {  	_ =	shalt  }
0x50: {  	_ =	shalt  }
0x51: {  	_ =	shalt  }
0x52: {  	_ =	shalt  }
0x53: {  	_ =	shalt  }
0x54: {  	_ =	shalt  }
0x55: {  	_ =	shalt  }
0x56: {  	_ =	shalt  }
0x57: {  	_ =	shalt  }
0x58: {  	_ =	shalt  }
0x59: {  	_ =	shalt  }
0x5a: {  	_ =	shalt  }
0x5b: {  	_ =	shalt  }
0x5c: {  	_ =	shalt  }
0x5d: {  	_ =	shalt  }
0x5e: {  	_ =	shalt  }
0x5f: {  	_ =	shalt  }
0x60: {  	_ =	shalt  }
0x61: {  	_ =	shalt  }
0x62: {  	_ =	shalt  }
0x63: {  	_ =	shalt  }
0x64: {  	_ =	shalt  }
0x65: {  	_ =	shalt  }
0x66: {  	_ =	shalt  }
0x67: {  	_ =	shalt  }
0x68: {  	_ =	shalt  }
0x69: {  	_ =	shalt  }
0x6a: {  	_ =	shalt  }
0x6b: {  	_ =	shalt  }
0x6c: {  	_ =	shalt  }
0x6d: {  	_ =	shalt  }
0x6e: {  	_ =	shalt  }
0x6f: {  	_ =	shalt  }
0x70: {  	_ =	shalt  }
0x71: {  	_ =	shalt  }
0x72: {  	_ =	shalt  }
0x73: {  	_ =	shalt  }
0x74: {  	_ =	shalt  }
0x75: {  	_ =	shalt  }
0x76: {  	_ =	shalt  }
0x77: {  	_ =	shalt  }
0x78: {  	_ =	shalt  }
0x79: {  	_ =	shalt  }
0x7a: {  	_ =	shalt  }
0x7b: {  	_ =	shalt  }
0x7c: {  	_ =	shalt  }
0x7d: {  	_ =	shalt  }
0x7e: {  	_ =	shalt  }
0x7f: {  	_ =	shalt  }
0x80: {  	_ =	shalt  }
0x81: {  	_ =	shalt  }
0x82: {  	_ =	shalt  }
0x83: {  	_ =	shalt  }
0x84: {  	_ =	shalt  }
0x85: {  	_ =	shalt  }
0x86: {  	_ =	shalt  }
0x87: {  	_ =	shalt  }
.Lfunc_end0:
.L_simem_size_0:
called_computation.1_lowered:
.L_overlay_start_0:
0x88: {  	s2 =	sld [smem:$0x3FD9]  }
0x89: {  	s3 =	sld [smem:$0x3FFE];
	_ =	sdelay $0x1  }
0x8a: {  	s1 =	srdreg.scid  }
0x8b: {  	s0 =	sand.u32 $0x1, s1  }
0x8c: {  	s17 =	sshll.u32 s0, $0xA;
	s2 =	sadd.s32 s3, s2  }
0x8d: {  	s2 =	sadd.s32 s2, s17  }
0x8e: {  	[smem:$0x3FC6] =	sst s2  }
0x8f: {  	_ = 	snop  }
0x90: {  	s2 =	sld [smem:$0x3FD0];
	(tm) =	ssettm $0x1  }
0x91: {  	s18 =	sld [smem:$0x3FFB];
	_ =	sdelay $0x3  }
0x92: {  	_ =	strace s18  }
0x93: {  	s3 =	sld [smem:$0x3FFC];
	_ =	sdelay $0x3  }
0x94: {  	_ =	strace s3  }
0x95: {  	s3 =	sld [smem:$0x3FFD];
	_ =	sdelay $0x3  }
0x96: {  	_ =	strace s3  }
0x97: {  	_ =	strace $0x8FFFFFFF  }
0x98: {  	s19 =	sld [smem:$0x3FDB];
	_ =	sdelay $0x1  }
0x99: {  	s4 =	simm.s32 $_scs_section_size  }
0x9a: {  	s5 =	simm.s32 $_size__tile_overlayer_lowered;
	s6 =	simm.s32 $_tile_overlayer_lowered  }
0x9b: {  	s22 =	simm.s32 $0x1BFF;
	s21 =	sshll.u32 s6, $0x1;
	s3 =	sadd.s32 s4, s19  }
0x9c: {  	s7 =	simm.s32 $0x0;
	s20 =	sshll.u32 s5, $0x1;
	s5 =	sadd.s32 s21, s3  }
0x9d: {  	[timem:s7], [sflag:s22] =	dma.local [hbm:s5], s20  }
0x9e: {  	_ =	swait.ge [sflag:s22], s20  }
0x9f: {  	s4 =	ssub.s32 $0x0, s20;
	[sflag:s22] =	ssyncset.done $0x0  }
0xa0: {  	[sflag:s22] =	ssyncadd.s32 s4;
	_ =	sdelay $0x1  }
0xa1: {  	s23 =	simm.s32 $0x1B8B  }
0xa2: {  	_ =	swait.ge [sflag:s23], $0x1  }
0xa3: {  	[sflag:s23] =	ssyncset.done $0x0  }
0xa4: {  	s25 =	simm.s32 $0x1B8E;
	s24 =	sld [smem:$0x3FFE];
	[sflag:s23] =	ssyncadd.s32 $0xFFFFFFFF  }
0xa5: {  	s26 =	simm.s32 $execute0_lowered;
	[smem:$0x3FD2] =	sst s25  }
0xa6: {  	s5 =	sshll.u32 s26, $0x1;
	_ =	strace $0x80000046;
	[dreg:$0x1] =	wrdreg $0xFFFFFFFF  }
0xa7: {  	s28 =	simm.s32 $_size_execute0_lowered;
	s3 =	sadd.s32 s3, s5;
	[dreg:$0x0] =	wrdreg $0x0  }
0xa8: {  	s5 =	sshll.u32 s28, $0x1;
	[dreg:$0x2] =	wrdreg s3  }
0xa9: {  	[dreg:$0x3] =	wrdreg s5  }
0xaa: {  	[dreg:$0x4] =	wrdreg $0xC0  }
0xab: {  	_ =	task [dreg:s7], $0x5FFFF  }
0xac: {  	[dreg:$0x1] =	wrdreg $0xFFFFFFFF  }
0xad: {  	[dreg:$0x0] =	wrdreg $0x60  }
0xae: {  	[dreg:$0x2] =	wrdreg s2  }
0xaf: {  	[dreg:$0x3] =	wrdreg s24  }
0xb0: {  	[dreg:$0x4] =	wrdreg $0x9  }
0xb1: {  	_ =	task.clear_ibuf [dreg:s7], $0x5FFFF;
	_ =	strace $0x90000046  }
0xb2: {  	s29 =	simm.s32 $0x9;
	_ =	strace $0x80000048  }
0xb3: {  	_ =	swait.ge [sflag:s29], $0x1  }
0xb4: {  	[sflag:s29] =	ssyncadd.s32 $0xFFFFFFFF  }
0xb5: {  	_ =	strace $0x90000048  }
0xb6: {  	_ =	sfence  }
0xb7: {  	s30 =	sld [smem:$0x0];
	_ =	sdelay $0x2  }
0xb8: {  	s31 =	sshll.u32 s1, $0xD;
	s1 =	sshrl.u32 s1, $0x2  }
0xb9: {  	s3 =	sand.u32 $0x4000, s31;
	s1 =	sadd.s32 s1, s30  }
0xba: {  	s0 =	sor.u32 s3, s0;
	s1 =	sshll.u32 s1, $0x11  }
0xbb: {  	s0 =	sor.u32 s1, s0  }
0xbc: {  	s0 =	sadd.s32 $0x8F2B, s0  }
0xbd: {  	[sflag:s0] =	ssyncadd.remote.s32 $0x1  }
0xbe: {  	_ =	sfence.sel $0xFFFF  }
0xbf: {  	[dreg:$0x0] =	wrdreg $0xFFFFFFFF;
	(pc) =	sbr.abs _section_cstart, $3  }
0xc0: {  	[dreg:$0x1] =	wrdreg $0xFFFFFFFF  }
0xc1: {  	_ =	task.clear_ibuf [dreg:s7], $0x2FFFF;
	_ =	strace $0x9FFFFFFF  }
0xc2: {  	(tm) =	ssettm $0x7FFFFFFF  }
0xc3: {  	_ =	shalt  }
tec
execute0_lowered:
.L_overlay_start_1:
0x0: {  	(tag) =	ssettag $0x1  }
0x1: {  	s10 =	rddreg [dreg:$0x0]  }
0x2: {  	s0 =	rddreg [dreg:$0x1]  }
0x3: {  	s1 =	srdreg.scid;
	s9 =	stileid.u32  }
0x4: {  	s3 =	simm.s32 $0x0;
	s28 =	simm.s32 $0x10080;
	s30 =	simm.s32 $0x10100  }
0x5: {  	s31 =	simm.s32 $0x4000;
	s1 =	sand.u32 $0x1, s1;
	s12 =	smul.u32 $0xC800, s9  }
0x6: {  	s2 =	sshll.u32 s9, $0x1;
	[smem:$0x7FF] =	sst s3;
	s9 =	smul.u32 $0x640000, s9  }
0x7: {  	s4 =	sadd.s32 $0xF42E00, s0;
	s0 =	sadd.s32 $0xA00, s0;
	s14 =	smul.u32 $0x6400, s1  }
0x8: {  	s2 =	sor.u32 s1, s2;
	s6 =	ssub.s32 $0x2, s1;
	s1 =	smul.u32 $0x320000, s1  }
0x9: {  	_ =	strace $0x80000047;
	s5 =	smul.u32 $0x6400, s2;
	s7 =	sshrl.u32 s6, $0x1  }
0xa: {  	s2 =	smul.u32 $0x320000, s2;
	s6 =	ssub.s32 s6, s7;
	s7 =	sadd.s32 s14, s12  }
0xb: {  	s1 =	sadd.s32 s1, s9;
	s14 =	simm.s32 $0x2000;
	s9 =	simm.s32 $0x10280  }
0xc: {  	s12 =	simm.s32 $0xC000;
	s8 =	sshrl.u32 s5, $0x3;
	s5 =	sadd.s32 $0x10, s10  }
0xd: {  	s2 =	sshrl.u32 s2, $0x3;
	s18 =	sadd.s32 $0x700, s7;
	s6 =	smax.u32 s6, $0x1  }
0xe: {  	s1 =	sshrl.u32 s1, $0x3;
	s24 =	sadd.s32 s8, s5;
	[dreg:$0x12] =	wrdreg s6  }
0xf: {  	s20 =	sadd.s32 $0x600, s7;
	s11 =	sadd.s32 s10, s8;
	[dreg:$0x7] =	wrdreg s24  }
0x10: {  	s21 =	sshll.u32 s7, $0x4;
	s1 =	sadd.s32 s1, s0;
	[dreg:$0x6] =	wrdreg s11  }
0x11: {  	s22 =	sadd.s32 $0x500, s7;
	s25 =	sadd.s32 $0x20, s11;
	[dreg:$0x13] =	wrdreg s1  }
0x12: {  	s2 =	sadd.s32 s0, s2;
	s26 =	sadd.s32 $0x30, s11;
	[dreg:$0x8] =	wrdreg s25  }
0x13: {  	s19 =	sshrl.u32 s18, $0x3;
	s29 =	sadd.s32 $0x40, s11;
	[dreg:$0x9] =	wrdreg s26  }
0x14: {  	s0 =	sadd.s32 s21, s0;
	s8 =	sadd.s32 $0x50, s11;
	[dreg:$0xa] =	wrdreg s29  }
0x15: {  	s23 =	sshrl.u32 s22, $0x3;
	s13 =	sadd.s32 $0x60, s11;
	[dreg:$0xb] =	wrdreg s8  }
0x16: {  	s22 =	simm.s32 $0xA000;
	s11 =	sadd.s32 $0x70, s11;
	[dreg:$0xc] =	wrdreg s13  }
0x17: {  	s18 =	simm.s32 $0x3;
	s15 =	sadd.s32 $0x60000, s2;
	[dreg:$0xd] =	wrdreg s11  }
0x18: {  	s6 =	simm.s32 $0x4;
	s16 =	sadd.s32 $0x61000, s2;
	[dreg:$0xe] =	wrdreg s15  }
0x19: {  	s17 =	sadd.s32 $0x62000, s2;
	s2 =	sadd.s32 $0x63000, s2;
	[dreg:$0xf] =	wrdreg s16  }
0x1a: {  	s1 =	sshrl.u32 s20, $0x3;
	s24 =	sadd.s32 $0x3000, s0;
	[dreg:$0x10] =	wrdreg s17  }
0x1b: {  	s20 =	simm.s32 $0x6000;
	[dreg:$0x11] =	wrdreg s2;
	s2 =	sadd.s32 s19, s10  }
0x1c: {  	s1 =	sadd.s32 s1, s10;
	[dreg:$0x14] =	wrdreg s24;
	s25 =	sadd.s32 s23, s10  }
0x1d: {  	s26 =	sadd.s32 $0x2000, s0;
	s0 =	sadd.s32 $0x1000, s0;
	[dreg:$0x3] =	wrdreg s2  }
0x1e: {  	s29 =	sadd.s32 $0x400, s7;
	s24 =	simm.s32 $0x10000;
	[dreg:$0x4] =	wrdreg s1  }
0x1f: {  	s7 =	simm.s32 $0x10200;
	s8 =	simm.s32 $0x8000;
	[dreg:$0x15] =	wrdreg s26  }
0x20: {  	s11 =	simm.s32 $0x10300;
	s13 =	simm.s32 $0x10380;
	[dreg:$0x5] =	wrdreg s25  }
0x21: {  	s15 =	simm.s32 $0x1;
	s16 =	simm.s32 $0x40;
	[dreg:$0x16] =	wrdreg s0  }
0x22: {  	s17 =	simm.s32 $0x2;
	[dreg:$0x17] =	wrdreg s29;
	s25 =	simm.s32 $0x5  }
0x23: {  	s26 =	simm.s32 $0x80;
	s0 =	simm.s32 $0x10180;
	s2 =	simm.s32 $0x0  }
.LBB2_1:
0x24: {  	[dreg:$0x18] =	wrdreg s2  }
0x25: {  	s1 =	rddreg [dreg:$0x6]  }
0x26: {  	[tilespmem:s24], [sflag:$0x5] =	stream.linear.gather [hbm4b:s1+s3], $0x80, $0x38;
	[tilespmem:$0x10400] =	vst v63  }
0x27: {  	_ =	swait.ge [sflag:s25], $0x80  }
0x28: {  	[sflag:s25] =	ssyncset.done $0x0  }
0x29: {  	[sflag:s25] =	ssyncadd.s32 $0xFFFFFF80  }
0x2a: {  	[tilespmem:s3], [sflag:$0x1] =	stream.indirect.gather [hbm4b:s4+s26], $0x40, s24, s26, $0xb8;
	[tilespmem:$0x10400] =	vst v63  }
0x2b: {  	s19 =	rddreg [dreg:$0x7]  }
0x2c: {  	[tilespmem:s28], [sflag:$0x5] =	stream.linear.gather [hbm4b:s19+s3], $0x80, $0x38;
	[tilespmem:$0x10400] =	vst v63  }
0x2d: {  	_ =	swait.ge [sflag:s25], $0x80  }
0x2e: {  	[sflag:s25] =	ssyncset.done $0x0  }
0x2f: {  	[sflag:s25] =	ssyncadd.s32 $0xFFFFFF80  }
0x30: {  	[tilespmem:s14], [sflag:$0x1] =	stream.indirect.gather [hbm4b:s4+s26], $0x40, s28, s26, $0xb8;
	[tilespmem:$0x10400] =	vst v63  }
0x31: {  	s21 =	rddreg [dreg:$0x8]  }
0x32: {  	[tilespmem:s30], [sflag:$0x5] =	stream.linear.gather [hbm4b:s21+s3], $0x80, $0x38;
	[tilespmem:$0x10400] =	vst v63  }
0x33: {  	_ =	swait.ge [sflag:s25], $0x80  }
0x34: {  	[sflag:s25] =	ssyncset.done $0x0  }
0x35: {  	[sflag:s25] =	ssyncadd.s32 $0xFFFFFF80  }
0x36: {  	[tilespmem:s31], [sflag:$0x2] =	stream.indirect.gather [hbm4b:s4+s26], $0x40, s30, s26, $0xb8;
	[tilespmem:$0x10400] =	vst v63  }
0x37: {  	s23 =	rddreg [dreg:$0x9]  }
0x38: {  	[tilespmem:s0], [sflag:$0x5] =	stream.linear.gather [hbm4b:s23+s3], $0x80, $0x38;
	[tilespmem:$0x10400] =	vst v63  }
0x39: {  	_ =	swait.ge [sflag:s25], $0x80  }
0x3a: {  	[sflag:s25] =	ssyncset.done $0x0  }
0x3b: {  	[sflag:s25] =	ssyncadd.s32 $0xFFFFFF80  }
0x3c: {  	[tilespmem:s20], [sflag:$0x2] =	stream.indirect.gather [hbm4b:s4+s26], $0x40, s0, s26, $0xb8;
	[tilespmem:$0x10400] =	vst v63  }
0x3d: {  	s29 =	rddreg [dreg:$0xa]  }
0x3e: {  	[tilespmem:s7], [sflag:$0x5] =	stream.linear.gather [hbm4b:s29+s3], $0x80, $0x38;
	[tilespmem:$0x10400] =	vst v63  }
0x3f: {  	_ =	swait.ge [sflag:s25], $0x80  }
0x40: {  	[sflag:s25] =	ssyncset.done $0x0  }
0x41: {  	[sflag:s25] =	ssyncadd.s32 $0xFFFFFF80  }
0x42: {  	[tilespmem:s8], [sflag:$0x3] =	stream.indirect.gather [hbm4b:s4+s26], $0x40, s7, s26, $0xb8;
	[tilespmem:$0x10400] =	vst v63  }
0x43: {  	s2 =	rddreg [dreg:$0xb]  }
0x44: {  	[tilespmem:s9], [sflag:$0x5] =	stream.linear.gather [hbm4b:s2+s3], $0x80, $0x38;
	[tilespmem:$0x10400] =	vst v63  }
0x45: {  	_ =	swait.ge [sflag:s25], $0x80  }
0x46: {  	[sflag:s25] =	ssyncset.done $0x0  }
0x47: {  	[sflag:s25] =	ssyncadd.s32 $0xFFFFFF80  }
0x48: {  	[tilespmem:s22], [sflag:$0x3] =	stream.indirect.gather [hbm4b:s4+s26], $0x40, s9, s26, $0xb8;
	[tilespmem:$0x10400] =	vst v63  }
0x49: {  	s19 =	rddreg [dreg:$0xc]  }
0x4a: {  	[tilespmem:s11], [sflag:$0x5] =	stream.linear.gather [hbm4b:s19+s3], $0x80, $0x38;
	[tilespmem:$0x10400] =	vst v63  }
0x4b: {  	_ =	swait.ge [sflag:s25], $0x80  }
0x4c: {  	[sflag:s25] =	ssyncset.done $0x0  }
0x4d: {  	[sflag:s25] =	ssyncadd.s32 $0xFFFFFF80  }
0x4e: {  	[tilespmem:s12], [sflag:$0x4] =	stream.indirect.gather [hbm4b:s4+s26], $0x40, s11, s26, $0xb8;
	[tilespmem:$0x10400] =	vst v63  }
0x4f: {  	s21 =	rddreg [dreg:$0xd]  }
0x50: {  	[tilespmem:s13], [sflag:$0x5] =	stream.linear.gather [hbm4b:s21+s3], $0x80, $0x38;
	[tilespmem:$0x10400] =	vst v63  }
0x51: {  	_ =	swait.ge [sflag:s25], $0x80  }
0x52: {  	[sflag:s25] =	ssyncset.done $0x0  }
0x53: {  	s23 =	simm.s32 $0xE000;
	[sflag:s25] =	ssyncadd.s32 $0xFFFFFF80  }
0x54: {  	[tilespmem:s23], [sflag:$0x4] =	stream.indirect.gather [hbm4b:s4+s26], $0x40, s13, s26, $0xb8;
	[tilespmem:$0x10400] =	vst v63  }
0x55: {  	_ =	swait.ge [sflag:s15], $0x2000  }
0x56: {  	[sflag:s15] =	ssyncset.done $0x0  }
0x57: {  	[sflag:s15] =	ssyncadd.s32 $0xFFFFE000  }
0x58: {  	_ =	swait.ge [sflag:s15], $0x2000  }
0x59: {  	[sflag:s15] =	ssyncset.done $0x0  }
0x5a: {  	s1 =	rddreg [dreg:$0x13];
	[sflag:s15] =	ssyncadd.s32 $0xFFFFE000  }
0x5b: {  	[hbm4b:s1+s16] =	stream.strided.scatter [tilespmem:s3], [sflag:$0x5], $0x4000, s26, s16, $0x38;
	[tilespmem:$0x10400] =	vst v63  }
0x5c: {  	_ =	swait.ge [sflag:s25], $0x4000  }
0x5d: {  	s21 =	rddreg [dreg:$0x17]  }
0x5e: {  	[sflag:s25] =	ssyncset.done $0x0;
	s29 =	sshrl.u32 s21, $0x3  }
0x5f: {  	[sflag:s25] =	ssyncadd.s32 $0xFFFFC000;
	s19 =	sadd.s32 s10, s29  }
0x60: {  	[tilespmem:s24], [sflag:$0x5] =	stream.linear.gather [hbm4b:s19+s3], $0x80, $0x38;
	[tilespmem:$0x10400] =	vst v63  }
0x61: {  	_ =	swait.ge [sflag:s25], $0x80  }
0x62: {  	[sflag:s25] =	ssyncset.done $0x0  }
0x63: {  	[sflag:s25] =	ssyncadd.s32 $0xFFFFFF80  }
0x64: {  	[tilespmem:s3], [sflag:$0x1] =	stream.indirect.gather [hbm4b:s4+s26], $0x40, s24, s26, $0xb8;
	[tilespmem:$0x10400] =	vst v63  }
0x65: {  	s2 =	sadd.s32 s29, s5  }
0x66: {  	[tilespmem:s28], [sflag:$0x5] =	stream.linear.gather [hbm4b:s2+s3], $0x80, $0x38;
	[tilespmem:$0x10400] =	vst v63  }
0x67: {  	_ =	swait.ge [sflag:s25], $0x80  }
0x68: {  	[sflag:s25] =	ssyncset.done $0x0  }
0x69: {  	[sflag:s25] =	ssyncadd.s32 $0xFFFFFF80  }
0x6a: {  	[tilespmem:s14], [sflag:$0x1] =	stream.indirect.gather [hbm4b:s4+s26], $0x40, s28, s26, $0xb8;
	[tilespmem:$0x10400] =	vst v63  }
0x6b: {  	_ =	swait.ge [sflag:s17], $0x2000  }
0x6c: {  	[sflag:s17] =	ssyncset.done $0x0  }
0x6d: {  	[sflag:s17] =	ssyncadd.s32 $0xFFFFE000  }
0x6e: {  	_ =	swait.ge [sflag:s17], $0x2000  }
0x6f: {  	[sflag:s17] =	ssyncset.done $0x0  }
0x70: {  	s23 =	rddreg [dreg:$0x16];
	[sflag:s17] =	ssyncadd.s32 $0xFFFFE000  }
0x71: {  	[hbm4b:s23+s16] =	stream.strided.scatter [tilespmem:s31], [sflag:$0x5], $0x4000, s26, s16, $0x38;
	[tilespmem:$0x10400] =	vst v63  }
0x72: {  	_ =	swait.ge [sflag:s25], $0x4000  }
0x73: {  	s19 =	rddreg [dreg:$0x5];
	[sflag:s25] =	ssyncset.done $0x0  }
0x74: {  	[sflag:s25] =	ssyncadd.s32 $0xFFFFC000;
	s2 =	sadd.s32 $0x0, s19  }
0x75: {  	[tilespmem:s30], [sflag:$0x5] =	stream.linear.gather [hbm4b:s2+s3], $0x80, $0x38;
	[tilespmem:$0x10400] =	vst v63  }
0x76: {  	_ =	swait.ge [sflag:s25], $0x80  }
0x77: {  	[sflag:s25] =	ssyncset.done $0x0  }
0x78: {  	[sflag:s25] =	ssyncadd.s32 $0xFFFFFF80  }
0x79: {  	[tilespmem:s31], [sflag:$0x2] =	stream.indirect.gather [hbm4b:s4+s26], $0x40, s30, s26, $0xb8;
	[tilespmem:$0x10400] =	vst v63  }
0x7a: {  	s2 =	sadd.s32 $0x10, s2  }
0x7b: {  	[tilespmem:s0], [sflag:$0x5] =	stream.linear.gather [hbm4b:s2+s3], $0x80, $0x38;
	[tilespmem:$0x10400] =	vst v63  }
0x7c: {  	_ =	swait.ge [sflag:s25], $0x80  }
0x7d: {  	[sflag:s25] =	ssyncset.done $0x0  }
0x7e: {  	[sflag:s25] =	ssyncadd.s32 $0xFFFFFF80  }
0x7f: {  	[tilespmem:s20], [sflag:$0x2] =	stream.indirect.gather [hbm4b:s4+s26], $0x40, s0, s26, $0xb8;
	[tilespmem:$0x10400] =	vst v63  }
0x80: {  	_ =	swait.ge [sflag:s18], $0x2000  }
0x81: {  	[sflag:s18] =	ssyncset.done $0x0  }
0x82: {  	[sflag:s18] =	ssyncadd.s32 $0xFFFFE000  }
0x83: {  	_ =	swait.ge [sflag:s18], $0x2000  }
0x84: {  	[sflag:s18] =	ssyncset.done $0x0  }
0x85: {  	s19 =	rddreg [dreg:$0x15];
	[sflag:s18] =	ssyncadd.s32 $0xFFFFE000  }
0x86: {  	[hbm4b:s19+s16] =	stream.strided.scatter [tilespmem:s8], [sflag:$0x5], $0x4000, s26, s16, $0x38;
	[tilespmem:$0x10400] =	vst v63  }
0x87: {  	_ =	swait.ge [sflag:s25], $0x4000  }
0x88: {  	s20 =	rddreg [dreg:$0x4];
	[sflag:s25] =	ssyncset.done $0x0  }
0x89: {  	[sflag:s25] =	ssyncadd.s32 $0xFFFFC000;
	s2 =	sadd.s32 $0x0, s20  }
0x8a: {  	[tilespmem:s7], [sflag:$0x5] =	stream.linear.gather [hbm4b:s2+s3], $0x80, $0x38;
	[tilespmem:$0x10400] =	vst v63  }
0x8b: {  	_ =	swait.ge [sflag:s25], $0x80  }
0x8c: {  	[sflag:s25] =	ssyncset.done $0x0  }
0x8d: {  	[sflag:s25] =	ssyncadd.s32 $0xFFFFFF80  }
0x8e: {  	[tilespmem:s8], [sflag:$0x3] =	stream.indirect.gather [hbm4b:s4+s26], $0x40, s7, s26, $0xb8;
	[tilespmem:$0x10400] =	vst v63  }
0x8f: {  	s2 =	sadd.s32 $0x10, s2  }
0x90: {  	[tilespmem:s9], [sflag:$0x5] =	stream.linear.gather [hbm4b:s2+s3], $0x80, $0x38;
	[tilespmem:$0x10400] =	vst v63  }
0x91: {  	_ =	swait.ge [sflag:s25], $0x80  }
0x92: {  	[sflag:s25] =	ssyncset.done $0x0  }
0x93: {  	[sflag:s25] =	ssyncadd.s32 $0xFFFFFF80  }
0x94: {  	[tilespmem:s22], [sflag:$0x3] =	stream.indirect.gather [hbm4b:s4+s26], $0x40, s9, s26, $0xb8;
	[tilespmem:$0x10400] =	vst v63  }
0x95: {  	_ =	swait.ge [sflag:s6], $0x2000  }
0x96: {  	[sflag:s6] =	ssyncset.done $0x0  }
0x97: {  	[sflag:s6] =	ssyncadd.s32 $0xFFFFE000  }
0x98: {  	_ =	swait.ge [sflag:s6], $0x2000  }
0x99: {  	[sflag:s6] =	ssyncset.done $0x0  }
0x9a: {  	s14 =	rddreg [dreg:$0x14];
	[sflag:s6] =	ssyncadd.s32 $0xFFFFE000  }
0x9b: {  	[hbm4b:s14+s16] =	stream.strided.scatter [tilespmem:s12], [sflag:$0x5], $0x4000, s26, s16, $0x38;
	[tilespmem:$0x10400] =	vst v63  }
0x9c: {  	_ =	swait.ge [sflag:s25], $0x4000  }
0x9d: {  	s29 =	rddreg [dreg:$0x3];
	[sflag:s25] =	ssyncset.done $0x0  }
0x9e: {  	[sflag:s25] =	ssyncadd.s32 $0xFFFFC000;
	s2 =	sadd.s32 $0x0, s29  }
0x9f: {  	[tilespmem:s11], [sflag:$0x5] =	stream.linear.gather [hbm4b:s2+s3], $0x80, $0x38;
	[tilespmem:$0x10400] =	vst v63  }
0xa0: {  	_ =	swait.ge [sflag:s25], $0x80  }
0xa1: {  	[sflag:s25] =	ssyncset.done $0x0  }
0xa2: {  	[sflag:s25] =	ssyncadd.s32 $0xFFFFFF80  }
0xa3: {  	[tilespmem:s12], [sflag:$0x4] =	stream.indirect.gather [hbm4b:s4+s26], $0x40, s11, s26, $0xb8;
	[tilespmem:$0x10400] =	vst v63  }
0xa4: {  	s2 =	sadd.s32 $0x10, s2  }
0xa5: {  	[tilespmem:s13], [sflag:$0x5] =	stream.linear.gather [hbm4b:s2+s3], $0x80, $0x38;
	[tilespmem:$0x10400] =	vst v63  }
0xa6: {  	s21 =	sadd.s32 $0x400, s21;
	s23 =	sadd.s32 $0x4000, s23;
	_ =	swait.ge [sflag:s25], $0x80  }
0xa7: {  	s20 =	simm.s32 $0x80;
	s22 =	sadd.s32 $0x4000, s19;
	[sflag:s25] =	ssyncset.done $0x0  }
0xa8: {  	s19 =	sadd.s32 $0x4000, s1;
	s2 =	sadd.s32 $0x4000, s14;
	[sflag:s25] =	ssyncadd.s32 $0xFFFFFF80  }
.LBB2_2:
0xa9: {  	s1 =	simm.s32 $0xE000  }
0xaa: {  	[tilespmem:s1], [sflag:$0x4] =	stream.indirect.gather [hbm4b:s4+s26], $0x40, s13, s26, $0xb8;
	[tilespmem:$0x10400] =	vst v63  }
0xab: {  	_ =	swait.ge [sflag:s15], $0x2000  }
0xac: {  	[sflag:s15] =	ssyncset.done $0x0  }
0xad: {  	[sflag:s15] =	ssyncadd.s32 $0xFFFFE000  }
0xae: {  	_ =	swait.ge [sflag:s15], $0x2000  }
0xaf: {  	[sflag:s15] =	ssyncset.done $0x0  }
0xb0: {  	[sflag:s15] =	ssyncadd.s32 $0xFFFFE000  }
0xb1: {  	[hbm4b:s19+s16] =	stream.strided.scatter [tilespmem:s3], [sflag:$0x5], $0x4000, s26, s16, $0x38;
	[tilespmem:$0x10400] =	vst v63  }
0xb2: {  	_ =	swait.ge [sflag:s25], $0x4000  }
0xb3: {  	s1 =	sshrl.u32 s21, $0x3;
	[sflag:s25] =	ssyncset.done $0x0  }
0xb4: {  	s14 =	sadd.s32 s10, s1;
	[sflag:s25] =	ssyncadd.s32 $0xFFFFC000  }
0xb5: {  	[tilespmem:s24], [sflag:$0x5] =	stream.linear.gather [hbm4b:s14+s3], $0x80, $0x38;
	[tilespmem:$0x10400] =	vst v63  }
0xb6: {  	_ =	swait.ge [sflag:s25], $0x80  }
0xb7: {  	[sflag:s25] =	ssyncset.done $0x0  }
0xb8: {  	[sflag:s25] =	ssyncadd.s32 $0xFFFFFF80  }
0xb9: {  	[tilespmem:s3], [sflag:$0x1] =	stream.indirect.gather [hbm4b:s4+s26], $0x40, s24, s26, $0xb8;
	[tilespmem:$0x10400] =	vst v63  }
0xba: {  	s1 =	sadd.s32 s1, s5  }
0xbb: {  	[tilespmem:s28], [sflag:$0x5] =	stream.linear.gather [hbm4b:s1+s3], $0x80, $0x38;
	[tilespmem:$0x10400] =	vst v63  }
0xbc: {  	_ =	swait.ge [sflag:s25], $0x80  }
0xbd: {  	[sflag:s25] =	ssyncset.done $0x0  }
0xbe: {  	s14 =	simm.s32 $0x2000;
	[sflag:s25] =	ssyncadd.s32 $0xFFFFFF80  }
0xbf: {  	[tilespmem:s14], [sflag:$0x1] =	stream.indirect.gather [hbm4b:s4+s26], $0x40, s28, s26, $0xb8;
	[tilespmem:$0x10400] =	vst v63  }
0xc0: {  	_ =	swait.ge [sflag:s17], $0x2000  }
0xc1: {  	[sflag:s17] =	ssyncset.done $0x0  }
0xc2: {  	[sflag:s17] =	ssyncadd.s32 $0xFFFFE000  }
0xc3: {  	_ =	swait.ge [sflag:s17], $0x2000  }
0xc4: {  	[sflag:s17] =	ssyncset.done $0x0  }
0xc5: {  	[sflag:s17] =	ssyncadd.s32 $0xFFFFE000  }
0xc6: {  	[hbm4b:s23+s16] =	stream.strided.scatter [tilespmem:s31], [sflag:$0x5], $0x4000, s26, s16, $0x38;
	[tilespmem:$0x10400] =	vst v63  }
0xc7: {  	_ =	swait.ge [sflag:s25], $0x4000  }
0xc8: {  	s29 =	smov.u32 s20;
	s14 =	rddreg [dreg:$0x5];
	[sflag:s25] =	ssyncset.done $0x0  }
0xc9: {  	[sflag:s25] =	ssyncadd.s32 $0xFFFFC000;
	s1 =	sadd.s32 s29, s14  }
0xca: {  	[tilespmem:s30], [sflag:$0x5] =	stream.linear.gather [hbm4b:s1+s3], $0x80, $0x38;
	[tilespmem:$0x10400] =	vst v63  }
0xcb: {  	_ =	swait.ge [sflag:s25], $0x80  }
0xcc: {  	[sflag:s25] =	ssyncset.done $0x0  }
0xcd: {  	[sflag:s25] =	ssyncadd.s32 $0xFFFFFF80  }
0xce: {  	[tilespmem:s31], [sflag:$0x2] =	stream.indirect.gather [hbm4b:s4+s26], $0x40, s30, s26, $0xb8;
	[tilespmem:$0x10400] =	vst v63  }
0xcf: {  	s1 =	sadd.s32 $0x10, s1  }
0xd0: {  	[tilespmem:s0], [sflag:$0x5] =	stream.linear.gather [hbm4b:s1+s3], $0x80, $0x38;
	[tilespmem:$0x10400] =	vst v63  }
0xd1: {  	_ =	swait.ge [sflag:s25], $0x80  }
0xd2: {  	[sflag:s25] =	ssyncset.done $0x0  }
0xd3: {  	s14 =	simm.s32 $0x6000;
	[sflag:s25] =	ssyncadd.s32 $0xFFFFFF80  }
0xd4: {  	[tilespmem:s14], [sflag:$0x2] =	stream.indirect.gather [hbm4b:s4+s26], $0x40, s0, s26, $0xb8;
	[tilespmem:$0x10400] =	vst v63  }
0xd5: {  	_ =	swait.ge [sflag:s18], $0x2000  }
0xd6: {  	[sflag:s18] =	ssyncset.done $0x0  }
0xd7: {  	[sflag:s18] =	ssyncadd.s32 $0xFFFFE000  }
0xd8: {  	_ =	swait.ge [sflag:s18], $0x2000  }
0xd9: {  	[sflag:s18] =	ssyncset.done $0x0  }
0xda: {  	[sflag:s18] =	ssyncadd.s32 $0xFFFFE000  }
0xdb: {  	[hbm4b:s22+s16] =	stream.strided.scatter [tilespmem:s8], [sflag:$0x5], $0x4000, s26, s16, $0x38;
	[tilespmem:$0x10400] =	vst v63  }
0xdc: {  	_ =	swait.ge [sflag:s25], $0x4000  }
0xdd: {  	s14 =	rddreg [dreg:$0x4];
	[sflag:s25] =	ssyncset.done $0x0  }
0xde: {  	[sflag:s25] =	ssyncadd.s32 $0xFFFFC000;
	s1 =	sadd.s32 s29, s14  }
0xdf: {  	[tilespmem:s7], [sflag:$0x5] =	stream.linear.gather [hbm4b:s1+s3], $0x80, $0x38;
	[tilespmem:$0x10400] =	vst v63  }
0xe0: {  	_ =	swait.ge [sflag:s25], $0x80  }
0xe1: {  	[sflag:s25] =	ssyncset.done $0x0  }
0xe2: {  	[sflag:s25] =	ssyncadd.s32 $0xFFFFFF80  }
0xe3: {  	[tilespmem:s8], [sflag:$0x3] =	stream.indirect.gather [hbm4b:s4+s26], $0x40, s7, s26, $0xb8;
	[tilespmem:$0x10400] =	vst v63  }
0xe4: {  	s1 =	sadd.s32 $0x10, s1  }
0xe5: {  	[tilespmem:s9], [sflag:$0x5] =	stream.linear.gather [hbm4b:s1+s3], $0x80, $0x38;
	[tilespmem:$0x10400] =	vst v63  }
0xe6: {  	_ =	swait.ge [sflag:s25], $0x80  }
0xe7: {  	[sflag:s25] =	ssyncset.done $0x0  }
0xe8: {  	s14 =	simm.s32 $0xA000;
	[sflag:s25] =	ssyncadd.s32 $0xFFFFFF80  }
0xe9: {  	[tilespmem:s14], [sflag:$0x3] =	stream.indirect.gather [hbm4b:s4+s26], $0x40, s9, s26, $0xb8;
	[tilespmem:$0x10400] =	vst v63  }
0xea: {  	_ =	swait.ge [sflag:s6], $0x2000  }
0xeb: {  	[sflag:s6] =	ssyncset.done $0x0  }
0xec: {  	[sflag:s6] =	ssyncadd.s32 $0xFFFFE000  }
0xed: {  	_ =	swait.ge [sflag:s6], $0x2000  }
0xee: {  	[sflag:s6] =	ssyncset.done $0x0  }
0xef: {  	[sflag:s6] =	ssyncadd.s32 $0xFFFFE000  }
0xf0: {  	[hbm4b:s2+s16] =	stream.strided.scatter [tilespmem:s12], [sflag:$0x5], $0x4000, s26, s16, $0x38;
	[tilespmem:$0x10400] =	vst v63  }
0xf1: {  	_ =	swait.ge [sflag:s25], $0x4000  }
0xf2: {  	s14 =	rddreg [dreg:$0x3];
	[sflag:s25] =	ssyncset.done $0x0  }
0xf3: {  	[sflag:s25] =	ssyncadd.s32 $0xFFFFC000;
	s1 =	sadd.s32 s29, s14  }
0xf4: {  	[tilespmem:s11], [sflag:$0x5] =	stream.linear.gather [hbm4b:s1+s3], $0x80, $0x38;
	[tilespmem:$0x10400] =	vst v63  }
0xf5: {  	_ =	swait.ge [sflag:s25], $0x80  }
0xf6: {  	[sflag:s25] =	ssyncset.done $0x0  }
0xf7: {  	p0 =	sne.s32 s20, $0xB80;
	[sflag:s25] =	ssyncadd.s32 $0xFFFFFF80  }
0xf8: {  	[tilespmem:s12], [sflag:$0x4] =	stream.indirect.gather [hbm4b:s4+s26], $0x40, s11, s26, $0xb8;
	[tilespmem:$0x10400] =	vst v63  }
.Ltmp0:
0xf9: {  	s1 =	sadd.s32 $0x10, s1;
	(pc) =	sbr.rel @p0 .LBB2_2-.Ltmp0, $4  }
0xfa: {  	[tilespmem:s13], [sflag:$0x5] =	stream.linear.gather [hbm4b:s1+s3], $0x80, $0x38;
	[tilespmem:$0x10400] =	vst v63  }
0xfb: {  	s20 =	sadd.s32 $0x80, s20;
	s21 =	sadd.s32 $0x400, s21;
	_ =	swait.ge [sflag:s25], $0x80  }
0xfc: {  	s19 =	sadd.s32 $0x4000, s19;
	s23 =	sadd.s32 $0x4000, s23;
	[sflag:s25] =	ssyncset.done $0x0  }
0xfd: {  	s22 =	sadd.s32 $0x4000, s22;
	s2 =	sadd.s32 $0x4000, s2;
	[sflag:s25] =	ssyncadd.s32 $0xFFFFFF80  }
0xfe: {  	s1 =	simm.s32 $0xE000  }
0xff: {  	[tilespmem:s1], [sflag:$0x4] =	stream.indirect.gather [hbm4b:s4+s26], $0x40, s13, s26, $0xb8;
	[tilespmem:$0x10400] =	vst v63  }
0x100: {  	_ =	swait.ge [sflag:s15], $0x2000  }
0x101: {  	[sflag:s15] =	ssyncset.done $0x0  }
0x102: {  	[sflag:s15] =	ssyncadd.s32 $0xFFFFE000  }
0x103: {  	_ =	swait.ge [sflag:s15], $0x2000  }
0x104: {  	[sflag:s15] =	ssyncset.done $0x0  }
0x105: {  	s20 =	rddreg [dreg:$0xe];
	[sflag:s15] =	ssyncadd.s32 $0xFFFFE000  }
0x106: {  	[hbm4b:s20+s16] =	stream.strided.scatter [tilespmem:s3], [sflag:$0x5], $0x4000, s26, s16, $0x38;
	[tilespmem:$0x10400] =	vst v63  }
0x107: {  	_ =	swait.ge [sflag:s25], $0x4000  }
0x108: {  	[sflag:s25] =	ssyncset.done $0x0  }
0x109: {  	[sflag:s25] =	ssyncadd.s32 $0xFFFFC000  }
0x10a: {  	_ =	swait.ge [sflag:s17], $0x2000  }
0x10b: {  	[sflag:s17] =	ssyncset.done $0x0  }
0x10c: {  	[sflag:s17] =	ssyncadd.s32 $0xFFFFE000  }
0x10d: {  	_ =	swait.ge [sflag:s17], $0x2000  }
0x10e: {  	[sflag:s17] =	ssyncset.done $0x0  }
0x10f: {  	s21 =	rddreg [dreg:$0xf];
	[sflag:s17] =	ssyncadd.s32 $0xFFFFE000  }
0x110: {  	[hbm4b:s21+s16] =	stream.strided.scatter [tilespmem:s31], [sflag:$0x5], $0x4000, s26, s16, $0x38;
	[tilespmem:$0x10400] =	vst v63  }
0x111: {  	_ =	swait.ge [sflag:s25], $0x4000  }
0x112: {  	[sflag:s25] =	ssyncset.done $0x0  }
0x113: {  	[sflag:s25] =	ssyncadd.s32 $0xFFFFC000  }
0x114: {  	_ =	swait.ge [sflag:s18], $0x2000  }
0x115: {  	[sflag:s18] =	ssyncset.done $0x0  }
0x116: {  	[sflag:s18] =	ssyncadd.s32 $0xFFFFE000  }
0x117: {  	_ =	swait.ge [sflag:s18], $0x2000  }
0x118: {  	[sflag:s18] =	ssyncset.done $0x0  }
0x119: {  	s22 =	rddreg [dreg:$0x10];
	[sflag:s18] =	ssyncadd.s32 $0xFFFFE000  }
0x11a: {  	[hbm4b:s22+s16] =	stream.strided.scatter [tilespmem:s8], [sflag:$0x5], $0x4000, s26, s16, $0x38;
	[tilespmem:$0x10400] =	vst v63  }
0x11b: {  	_ =	swait.ge [sflag:s25], $0x4000  }
0x11c: {  	[sflag:s25] =	ssyncset.done $0x0  }
0x11d: {  	[sflag:s25] =	ssyncadd.s32 $0xFFFFC000  }
0x11e: {  	_ =	swait.ge [sflag:s6], $0x2000  }
0x11f: {  	[sflag:s6] =	ssyncset.done $0x0  }
0x120: {  	[sflag:s6] =	ssyncadd.s32 $0xFFFFE000  }
0x121: {  	_ =	swait.ge [sflag:s6], $0x2000  }
0x122: {  	[sflag:s6] =	ssyncset.done $0x0  }
0x123: {  	s23 =	rddreg [dreg:$0x11];
	[sflag:s6] =	ssyncadd.s32 $0xFFFFE000  }
0x124: {  	[hbm4b:s23+s16] =	stream.strided.scatter [tilespmem:s12], [sflag:$0x5], $0x4000, s26, s16, $0x38;
	[tilespmem:$0x10400] =	vst v63  }
0x125: {  	_ =	swait.ge [sflag:s25], $0x4000  }
0x126: {  	s2 =	rddreg [dreg:$0x18]  }
0x127: {  	s29 =	rddreg [dreg:$0x12];
	s2 =	sadd.s32 $0x1, s2  }
0x128: {  	p0 =	sne.s32 s2, s29  }
.Ltmp1:
0x129: {  	_ = 	snop;
	(pc) =	sbr.rel @p0 .LBB2_1-.Ltmp1, $3  }
0x12a: {  	_ =	sdelay $0x1  }
0x12b: {  	s14 =	simm.s32 $0x2000;
	[sflag:s25] =	ssyncset.done $0x0  }
0x12c: {  	s20 =	simm.s32 $0x6000;
	s22 =	simm.s32 $0xA000;
	[sflag:s25] =	ssyncadd.s32 $0xFFFFC000  }
0x12d: {  	_ =	sfence.sel $0x180000  }
0x12e: {  	[bflag:$0x0] =	sbarrier.arrive $0xFFFF  }
0x12f: {  	_ =	strace $0x90000047  }
0x130: {  	s0 =	stileid.u32;
	[bflag:$0x2] =	sbarrier.arrive $0xFFFF  }
0x131: {  	p0 =	sne.s32 s0, $0x0;
	s0 =	rddreg [dreg:$0x2]  }
0x132: {  	s0 =	sadd.s32 @!p0 $0x100000, s0  }
0x133: {  	[sflag:s0] =	ssyncadd.tile.s32 @!p0 $0x1;
	_ =	shalt  }
.Lfunc_end2:
_tile_overlayer_lowered:
.L_overlay_start_2:
0x134: {  	(tag) =	ssettag $0x2  }
0x135: {  	s0 =	rddreg [dreg:$0x0];
	s2 =	stileid.u32  }
0x136: {  	s1 =	rddreg [dreg:$0x1];
	p0 =	sne.s32 s2, $0x0  }
0x137: {  	s3 =	rddreg [dreg:$0x2];
	[bflag:$0x3] =	sbarrier.arrive $0xFFFF;
	s2 =	simm.s32 @!p0 $0x1C05  }
0x138: {  	[timem:s3], [sflag:s2] =	dma.local @!p0 [hbm:s0], s1  }
0x139: {  	s0 =	simm.s32 @!p0 $0x5  }
0x13a: {  	_ =	swait.ge @!p0 [sflag:s0], s1  }
0x13b: {  	s1 =	ssub.s32 @!p0 $0x0, s1;
	[sflag:s0] =	ssyncset.done @!p0 $0x0  }
0x13c: {  	[sflag:s0] =	ssyncadd.s32 @!p0 s1  }
0x13d: {  	[bflag:$0x3] =	sbarrier.arrive $0xFFFF  }
0x13e: {  	_ =	shalt  }

// kernel: sparse-core-data-format-call.cloned.1.call-start
scs
called_computation_lowered:
.L_overlay_start_0:
0x0: {  	s2 =	sld [smem:$0x3FD9]  }
0x1: {  	s3 =	sld [smem:$0x3FFE];
	_ =	sdelay $0x1  }
0x2: {  	s1 =	srdreg.scid  }
0x3: {  	s0 =	sand.u32 $0x1, s1  }
0x4: {  	s18 =	sshll.u32 s0, $0xA;
	s2 =	sadd.s32 s3, s2  }
0x5: {  	s2 =	sadd.s32 s2, s18  }
0x6: {  	[smem:$0x3FC6] =	sst s2  }
0x7: {  	_ = 	snop  }
0x8: {  	s2 =	sld [smem:$0x3FD0];
	(tm) =	ssettm $0x1  }
0x9: {  	s19 =	sld [smem:$0x3FFB];
	_ =	sdelay $0x3  }
0xa: {  	_ =	strace s19  }
0xb: {  	s3 =	sld [smem:$0x3FFC];
	_ =	sdelay $0x3  }
0xc: {  	_ =	strace s3  }
0xd: {  	s3 =	sld [smem:$0x3FFD];
	_ =	sdelay $0x3  }
0xe: {  	_ =	strace s3  }
0xf: {  	_ =	strace $0x8FFFFFFF  }
0x10: {  	s20 =	sld [smem:$0x3FDB];
	_ =	sdelay $0x1  }
0x11: {  	s4 =	simm.s32 $_scs_section_size  }
0x12: {  	s5 =	simm.s32 $_size__tile_overlayer_lowered;
	s6 =	simm.s32 $_tile_overlayer_lowered  }
0x13: {  	s23 =	simm.s32 $0x1BFF;
	s22 =	sshll.u32 s6, $0x1;
	s3 =	sadd.s32 s4, s20  }
0x14: {  	s7 =	simm.s32 $0x0;
	s21 =	sshll.u32 s5, $0x1;
	s5 =	sadd.s32 s22, s3  }
0x15: {  	[timem:s7], [sflag:s23] =	dma.local [hbm:s5], s21  }
0x16: {  	_ =	swait.ge [sflag:s23], s21  }
0x17: {  	s4 =	ssub.s32 $0x0, s21;
	[sflag:s23] =	ssyncset.done $0x0  }
0x18: {  	[sflag:s23] =	ssyncadd.s32 s4;
	_ =	sdelay $0x1  }
0x19: {  	s24 =	simm.s32 $0x1B8B  }
0x1a: {  	_ =	swait.ge [sflag:s24], $0x1  }
0x1b: {  	[sflag:s24] =	ssyncset.done $0x0  }
0x1c: {  	s26 =	simm.s32 $0x1B8E;
	s25 =	sld [smem:$0x3FFE];
	[sflag:s24] =	ssyncadd.s32 $0xFFFFFFFF  }
0x1d: {  	s27 =	simm.s32 $execute0_lowered;
	[smem:$0x3FD2] =	sst s26  }
0x1e: {  	s5 =	sshll.u32 s27, $0x1;
	_ =	strace $0x80000049;
	[dreg:$0x1] =	wrdreg $0xFFFFFFFF  }
0x1f: {  	s28 =	simm.s32 $_size_execute0_lowered;
	s3 =	sadd.s32 s3, s5;
	[dreg:$0x0] =	wrdreg $0x0  }
0x20: {  	s5 =	sshll.u32 s28, $0x1;
	[dreg:$0x2] =	wrdreg s3  }
0x21: {  	[dreg:$0x3] =	wrdreg s5  }
0x22: {  	[dreg:$0x4] =	wrdreg $0xC0  }
0x23: {  	_ =	task [dreg:s7], $0x5FFFF  }
0x24: {  	[dreg:$0x1] =	wrdreg $0xFFFFFFFF  }
0x25: {  	[dreg:$0x0] =	wrdreg $0x60  }
0x26: {  	[dreg:$0x2] =	wrdreg s25  }
0x27: {  	[dreg:$0x3] =	wrdreg s2  }
0x28: {  	[dreg:$0x4] =	wrdreg $0x9  }
0x29: {  	_ =	task.clear_ibuf [dreg:s7], $0x5FFFF;
	_ =	strace $0x90000049  }
0x2a: {  	s29 =	simm.s32 $0x9;
	_ =	strace $0x8000004B  }
0x2b: {  	_ =	swait.ge [sflag:s29], $0x1  }
0x2c: {  	[sflag:s29] =	ssyncadd.s32 $0xFFFFFFFF  }
0x2d: {  	_ =	strace $0x9000004B  }
0x2e: {  	_ =	sfence  }
0x2f: {  	s30 =	sld [smem:$0x0];
	_ =	sdelay $0x2  }
0x30: {  	s31 =	sshll.u32 s1, $0xD;
	s1 =	sshrl.u32 s1, $0x2  }
0x31: {  	s3 =	sand.u32 $0x4000, s31;
	s1 =	sadd.s32 s1, s30  }
0x32: {  	s0 =	sor.u32 s3, s0;
	s1 =	sshll.u32 s1, $0x11  }
0x33: {  	s0 =	sor.u32 s1, s0  }
0x34: {  	s0 =	sadd.s32 $0x8F2B, s0  }
0x35: {  	[sflag:s0] =	ssyncadd.remote.s32 $0x1  }
0x36: {  	_ =	sfence.sel $0xFFFF  }
0x37: {  	[dreg:$0x0] =	wrdreg $0xFFFFFFFF;
	(pc) =	sbr.abs _section_cstart, $3  }
0x38: {  	[dreg:$0x1] =	wrdreg $0xFFFFFFFF  }
0x39: {  	_ =	task.clear_ibuf [dreg:s7], $0x2FFFF;
	_ =	strace $0x9FFFFFFF  }
0x3a: {  	(tm) =	ssettm $0x7FFFFFFF  }
0x3b: {  	_ =	shalt  }
tec
execute0_lowered:
.L_overlay_start_1:
0x0: {  	(tag) =	ssettag $0x1  }
0x1: {  	s0 =	srdreg.scid  }
0x2: {  	s1 =	sshll.u32 s0, $0x4  }
0x3: {  	s0 =	stileid.u32;
	s1 =	sand.u32 $0x10, s1  }
0x4: {  	s1 =	sor.u32 s0, s1  }
0x5: {  	s6 =	rddreg [dreg:$0x0];
	s4 =	simm.s32 $0x1;
	s2 =	sshll.u32 s1, $0x7  }
0x6: {  	s7 =	simm.s32 $0x2;
	s12 =	simm.s32 $0x0;
	s1 =	ssub.s32 $0x1000, s2  }
0x7: {  	s8 =	simm.s32 $0x8000;
	s13 =	simm.s32 $0x0;
	s3 =	sand.u32 $0xF80, s1  }
0x8: {  	s9 =	simm.s32 $0x0;
	s5 =	sshrl.u32 s1, $0xC;
	p0 =	sne.s32 s3, $0x0  }
.Ltmp0:
0x9: {  	s1 =	rddreg [dreg:$0x2];
	s4 =	simm.s32 @!p0 $0x0;
	(pc) =	sbr.rel .LBB1_1-.Ltmp0, $4  }
0xa: {  	s11 =	simm.s32 $0x0;
	s3 =	rddreg [dreg:$0x1];
	s5 =	sadd.s32 s4, s5  }
0xb: {  	_ =	strace $0x8000004A;
	s4 =	simm.s32 $0x1;
	s5 =	smul.u32 $0xC8, s5  }
0xc: {  	s6 =	sadd.s32 $0xA00, s6;
	s10 =	smov.u32 s2;
	[sflag:s4] =	ssyncpa.u1 $0x0  }
0xd: {  	p0 =	por $0x0, $0x0;
	[sflag:s7] =	ssyncpa.u1 $0x0;
	s7 =	sor.u32 $0x1, s5  }
.LBB1_4:
0xe: {  	s16 =	sshll.u32 s13, $0x3;
	s17 =	sand.u32 $0x78, s13  }
0xf: {  	s30 =	sand.u32 $0x7E00, s13;
	s12 =	sshll.u32 s12, $0xF;
	s16 =	sand.u32 $0xC00, s16  }
0x10: {  	[tilespmem:s15+$0x810 ss:$0x81] =	vst.msk $0xffff, v2;
	s31 =	sand.u32 $0x7, s13;
	s16 =	sor.u32 s17, s16;
	s17 =	sadd.s32 s3, s30  }
0x11: {  	[tilespmem:s15+$0x1020 ss:$0x81] =	vst.msk $0xffff, v0;
	s13 =	sshll.u32 s31, $0x12;
	s12 =	sadd.s32 s12, s17;
	s16 =	sshrl.u32 s16, $0x3  }
0x12: {  	[tilespmem:s15+$0x0 ss:$0x81] =	vst.msk $0xffff, v1;
	s13 =	sor.u32 $0x400, s13;
	s12 =	sadd.s32 s16, s12  }
0x13: {  	[hbm4b:s12+s13] =	stream.strided.scatter [tilespmem:s14], [sflag:$0x2], $0x2000, s8, s13, $0x20;
	[tilespmem:$0x8080] =	vst v63  }
.LBB1_5:
0x14: {  	s14 =	sadd.s32 $0x1, s9  }
0x15: {  	s12 =	sadd.s32 $0x1000, s10;
	s16 =	smov.u32 s10;
	p2 =	sgt.s32 s14, $0xC7  }
0x16: {  	s16 =	smov.u32 @p2 s12  }
0x17: {  	s14 =	simm.s32 @p2 $0x0;
	p2 =	sgt.s32 s16, $0xFFF  }
0x18: {  	s16 =	smov.u32 @p2 s2;
	p2 =	sne.s32 s11, s7  }
.Ltmp1:
0x19: {  	p1 =	slt.u32 s11, $0x2;
	(pc) =	sbr.rel @!p2 .LBB1_6-.Ltmp1, $4  }
0x1a: {  	s15 =	simm.s32 @!p1 $0x2  }
0x1b: {  	s13 =	smov.u32 s10;
	p0 =	por !p0, !p0;
	_ =	swait.ge @!p1 [sflag:s15], $0x2000  }
0x1c: {  	s12 =	smov.u32 s9;
	[sflag:s15] =	ssyncset.done @!p1 $0x0;
	s9 =	smov.u32 s14  }
0x1d: {  	s11 =	sadd.s32 $0x1, s11;
	[sflag:s15] =	ssyncadd.s32 @!p1 $0xFFFFE000;
	s10 =	smov.u32 s16  }
.LBB1_1:
0x1e: {  	p1 =	sge.u32 s11, s5  }
0x1f: {  	s14 =	sand.u32 @!p1 $0x1FFFFFF, s9  }
0x20: {  	s15 =	smulhi.u32 @!p1 $0x147AE15, s14;
	_ =	sdelay $0x1  }
0x21: {  	s15 =	smul.u32 @!p1 $0xC8, s15  }
0x22: {  	s16 =	sxor.u32 @!p1 $0xFFFFFFFF, s11;
	s17 =	smul.u32 @!p1 $0xC80, s10  }
0x23: {  	s31 =	sadd.s32 $0xFFFFFFFF, s11;
	s16 =	sshll.u32 @!p1 s16, $0xD;
	s14 =	ssub.s32 @!p1 s14, s15  }
0x24: {  	s15 =	sand.u32 @!p1 $0x2000, s16;
	s16 =	sadd.s32 @!p1 s6, s17;
	s14 =	sshll.u32 @!p1 s14, $0x4  }
0x25: {  	s17 =	simm.s32 @!p1 $0x6400;
	s14 =	sadd.s32 @!p1 s14, s16;
	s16 =	simm.s32 @!p1 $0x40  }
0x26: {  	[tilespmem:s15], [sflag:$0x1] =	stream.strided.gather @!p1 [hbm4b:s14+s16], $0x2000, s17, s16, $0x38;
	[tilespmem:$0x8080] =	vst v63  }
0x27: {  	p1 =	sge.u32 s31, s5  }
.Ltmp2:
0x28: {  	_ = 	snop;
	(pc) =	sbr.rel @p1 .LBB1_5-.Ltmp2, $1  }
0x29: {  	_ =	sdelay $0x3  }
0x2a: {  	s14 =	simm.s32 $0x1  }
0x2b: {  	_ =	swait.ge [sflag:s4], $0x2000;
	s14 =	simm.s32 @!p0 $0x0  }
0x2c: {  	[sflag:s4] =	ssyncset.done $0x0;
	s15 =	sshll.u32 s14, $0xD  }
0x2d: {  	[sflag:s4] =	ssyncadd.s32 $0xFFFFE000;
	s18 =	sor.u32 $0x20, s15  }
0x2e: {  	s14 =	smul.u32 $0x8100, s14;
	v3 =	vld [tilespmem:s18+$0x10]  }
0x2f: {  	s30 =	sand.u32 $0x1, s11;
	v2 =	vld [tilespmem:s18+$0xFFFFFFF0]  }
0x30: {  	s15 =	smul.u32 $0x8100, s30;
	s14 =	sshrl.u32 s14, $0x2;
	v0 =	vld [tilespmem:s18+$0x0]  }
0x31: {  	v1 =	vld [tilespmem:s18+$0xFFFFFFE0];
	s16 =	sor.u32 $0x4000, s14  }
0x32: {  	s31 =	sshrl.u32 s15, $0x2;
	s15 =	sadd.s32 $0x0, s16  }
0x33: {  	s17 =	simm.s32 $0x4;
	s18 =	sadd.s32 $0x40, s18;
	s14 =	sor.u32 $0x4000, s31;
	[tilespmem:s15+$0x1830 ss:$0x81] =	vst.msk $0xffff, v3  }
.LBB1_3:
0x34: {  	v3 =	vld [tilespmem:s18+$0x10];
	p1 =	sne.s32 s17, $0x1FC;
	[tilespmem:s15+$0x810 ss:$0x81] =	vst.msk $0xffff, v2;
	s19 =	smov.u32 s17;
	s17 =	sadd.s32 $0x4, s17  }
.Ltmp3:
0x35: {  	v2 =	vld [tilespmem:s18+$0xFFFFFFF0];
	[tilespmem:s15+$0x1020 ss:$0x81] =	vst.msk $0xffff, v0;
	(pc) =	sbr.rel @p1 .LBB1_3-.Ltmp3, $4  }
0x36: {  	v0 =	vld [tilespmem:s18+$0x0];
	[tilespmem:s15+$0x0 ss:$0x81] =	vst.msk $0xffff, v1  }
0x37: {  	s15 =	sshra.s32 s19, $0x2;
	v1 =	vld [tilespmem:s18+$0xFFFFFFE0]  }
0x38: {  	s15 =	sadd.s32 s15, s16  }
0x39: {  	s18 =	sadd.s32 $0x40, s18;
	[tilespmem:s15+$0x1830 ss:$0x81] =	vst.msk $0xffff, v3  }
.Ltmp4:
0x3a: {  	_ = 	snop;
	(pc) =	sbr.rel .LBB1_4-.Ltmp4, $1  }
0x3b: {  	_ =	sdelay $0x3  }
.LBB1_6:
0x3c: {  	_ =	sfence.sel $0x180000  }
0x3d: {  	s2 =	simm.s32 $0x1;
	[bflag:$0x0] =	sbarrier.arrive $0xFFFF  }
0x3e: {  	s31 =	simm.s32 $0x2;
	[sflag:s2] =	ssyncpa.u1 $0x1  }
0x3f: {  	[sflag:s31] =	ssyncpa.u1 $0x1  }
0x40: {  	p0 =	sne.s32 s0, $0x0;
	_ =	strace $0x9000004A  }
0x41: {  	s0 =	sadd.s32 @!p0 $0x100000, s1;
	[bflag:$0x2] =	sbarrier.arrive $0xFFFF  }
0x42: {  	[sflag:s0] =	ssyncadd.tile.s32 @!p0 $0x1;
	_ =	shalt  }
.Lfunc_end1:
_tile_overlayer_lowered:
.L_overlay_start_2:
0x43: {  	(tag) =	ssettag $0x2  }
0x44: {  	s0 =	rddreg [dreg:$0x0];
	s2 =	stileid.u32  }
0x45: {  	s1 =	rddreg [dreg:$0x1];
	p0 =	sne.s32 s2, $0x0  }
0x46: {  	s3 =	rddreg [dreg:$0x2];
	[bflag:$0x3] =	sbarrier.arrive $0xFFFF;
	s2 =	simm.s32 @!p0 $0x1C01  }
0x47: {  	[timem:s3], [sflag:s2] =	dma.local @!p0 [hbm:s0], s1  }
0x48: {  	s0 =	simm.s32 @!p0 $0x1  }
0x49: {  	_ =	swait.ge @!p0 [sflag:s0], s1  }
0x4a: {  	s1 =	ssub.s32 @!p0 $0x0, s1;
	[sflag:s0] =	ssyncset.done @!p0 $0x0  }
0x4b: {  	[sflag:s0] =	ssyncadd.s32 @!p0 s1  }
0x4c: {  	[bflag:$0x3] =	sbarrier.arrive $0xFFFF  }
0x4d: {  	_ =	shalt  }

</sc_bundles>
